<compile_context>
chip_gen: v7x
topology: tpu7x:2x2x1
jax: 0.10.2.dev20260603
libtpu: 0.0.44.dev20260713+nightly
codegen_flags: <defaults>
</compile_context>

<pallas_src>
import functools

import jax
import jax.numpy as jnp
from jax import lax
from jax.experimental import pallas as pl
from jax.experimental.pallas import tpu as pltpu
from jax.experimental.pallas import tpu_sc as plsc

_B, _S, _D = 1, 2048, 1024
_E, _TOPK = 8, 2
_FF, _FF_SH = 256, 512
_T = _B * _S

_TILE = 256
_NT = 24
_ROWS = _NT * _TILE
_NC, _NS = 2, 16
_NW = _NC * _NS
_TPW = _T // _NW


def _silu(x):
    return x * (1.0 / (1.0 + jnp.exp(-x)))


def _router_body(flat_ref, rw_ref, logits_ref, w01_ref, pos0_ref, pos1_ref,
                 te_ref):
    flat = flat_ref[...]
    logits = jnp.dot(flat, rw_ref[...], preferred_element_type=jnp.float32)
    logits_ref[...] = logits
    lt = jnp.transpose(logits)
    lmax = jnp.max(lt, axis=0, keepdims=True)
    p = jnp.exp(lt - lmax)
    sub = lax.broadcasted_iota(jnp.int32, (_E, _T), 0)
    m1 = jnp.max(p, axis=0, keepdims=True)
    i1 = jnp.min(jnp.where(p == m1, sub, _E), axis=0, keepdims=True)
    p2 = jnp.where(sub == i1, -jnp.inf, p)
    m2 = jnp.max(p2, axis=0, keepdims=True)
    i2 = jnp.min(jnp.where(p2 == m2, sub, _E), axis=0, keepdims=True)
    s = m1 + m2
    w01_ref[...] = jnp.concatenate([m1 / s, m2 / s], axis=0)

    oh1 = (sub == i1).astype(jnp.float32)
    oh2 = (sub == i2).astype(jnp.float32)
    cnt = (oh1 + oh2).reshape(128, 128)
    r1 = lax.broadcasted_iota(jnp.int32, (128, 128), 0)
    c1 = lax.broadcasted_iota(jnp.int32, (128, 128), 1)
    ut = (r1 < c1).astype(jnp.bfloat16)
    local = jnp.dot(cnt.astype(jnp.bfloat16), ut,
                    preferred_element_type=jnp.float32)
    rowsum = jnp.sum(cnt, axis=1, keepdims=True)
    bdl = ((r1 // 16 == c1 // 16) & (c1 % 16 < r1 % 16)).astype(jnp.bfloat16)
    prefix = jnp.dot(bdl, rowsum.astype(jnp.bfloat16),
                     preferred_element_type=jnp.float32)
    x_t = (local + prefix).reshape(_E, _T)

    c_col = jnp.sum(cnt, axis=1, keepdims=True).reshape(_E, 16).sum(
        axis=1, keepdims=True)
    tiles_col = ((c_col + float(_TILE - 1)) * (1.0 / _TILE)
                 ).astype(jnp.int32).astype(jnp.float32)
    r8 = lax.broadcasted_iota(jnp.int32, (_E, _E), 0)
    c8 = lax.broadcasted_iota(jnp.int32, (_E, _E), 1)
    l8 = (c8 < r8).astype(jnp.bfloat16)
    start_col = jnp.dot(l8, tiles_col.astype(jnp.bfloat16),
                        preferred_element_type=jnp.float32)
    aligned_col = start_col * float(_TILE)

    al_b = jnp.broadcast_to(aligned_col, (_E, _T))
    rank1 = jnp.sum(jnp.where(sub == i1, x_t + al_b, 0.0), axis=0,
                    keepdims=True)
    rank2 = jnp.sum(jnp.where(sub == i2, x_t + al_b, 0.0), axis=0,
                    keepdims=True)
    pos0_ref[...] = rank1.astype(jnp.int32).reshape(_T)
    pos1_ref[...] = rank2.astype(jnp.int32).reshape(_T)

    incl_col = start_col + tiles_col
    jt = lax.broadcasted_iota(jnp.int32, (_E, _NT), 1).astype(jnp.float32)
    te = jnp.sum((jnp.broadcast_to(incl_col, (_E, _NT)) <= jt)
                 .astype(jnp.float32), axis=0, keepdims=True)
    te = jnp.minimum(te, float(_E - 1))
    n_active = jnp.sum(tiles_col, axis=0, keepdims=True)
    te_ref[...] = jnp.concatenate([te, n_active], axis=1).astype(jnp.int32)


def _router_tc(flat, router_w, interpret=False):
    return pl.pallas_call(
        _router_body,
        out_shape=[
            jax.ShapeDtypeStruct((_T, _E), jnp.float32),
            jax.ShapeDtypeStruct((2, _T), jnp.float32),
            jax.ShapeDtypeStruct((_T,), jnp.int32),
            jax.ShapeDtypeStruct((_T,), jnp.int32),
            jax.ShapeDtypeStruct((1, _NT + 1), jnp.int32),
        ],
        interpret=interpret,
    )(flat, router_w)


def _shared_body(flat_ref, g_ref, u_ref, d_ref, out_ref):
    flat = flat_ref[...]
    g = jnp.dot(flat, g_ref[...], preferred_element_type=jnp.float32)
    u = jnp.dot(flat, u_ref[...], preferred_element_type=jnp.float32)
    out_ref[...] = jnp.dot(_silu(g) * u, d_ref[...],
                           preferred_element_type=jnp.float32)


def _shared_tc(flat, sh_gate, sh_up, sh_down, interpret=False):
    return pl.pallas_call(
        _shared_body,
        out_shape=jax.ShapeDtypeStruct((_T, _D), jnp.float32),
        interpret=interpret,
    )(flat, sh_gate, sh_up, sh_down)


def _grouped_body(te_ref, x_ref, wg_ref, wu_ref, wd_ref, y_ref):
    @pl.when(pl.program_id(0) < te_ref[_NT])
    def _():
        x = x_ref[...]
        g = jnp.dot(x, wg_ref[0], preferred_element_type=jnp.float32)
        u = jnp.dot(x, wu_ref[0], preferred_element_type=jnp.float32)
        y_ref[...] = jnp.dot(_silu(g) * u, wd_ref[0],
                             preferred_element_type=jnp.float32)


def _grouped_tc(tile_expert, x_sorted, w_gate, w_up, w_down, interpret=False):
    grid_spec = pltpu.PrefetchScalarGridSpec(
        num_scalar_prefetch=1,
        grid=(_NT,),
        in_specs=[
            pl.BlockSpec((_TILE, _D), lambda i, te: (i, 0)),
            pl.BlockSpec((1, _D, _FF), lambda i, te: (te[i], 0, 0)),
            pl.BlockSpec((1, _D, _FF), lambda i, te: (te[i], 0, 0)),
            pl.BlockSpec((1, _FF, _D), lambda i, te: (te[i], 0, 0)),
        ],
        out_specs=pl.BlockSpec((_TILE, _D), lambda i, te: (i, 0)),
    )
    return pl.pallas_call(
        _grouped_body,
        grid_spec=grid_spec,
        out_shape=jax.ShapeDtypeStruct((_ROWS, _D), jnp.float32),
        compiler_params=pltpu.CompilerParams(
            dimension_semantics=("arbitrary",)),
        interpret=interpret,
    )(tile_expert, x_sorted, w_gate, w_up, w_down)


def _dispatch_sc(flat, pos0, pos1):
    mesh = plsc.VectorSubcoreMesh(core_axis_name="c", subcore_axis_name="s")

    @functools.partial(
        pl.kernel, mesh=mesh,
        out_type=jax.ShapeDtypeStruct((_ROWS, _D), jnp.float32),
        scratch_types=[
            pltpu.VMEM((_TPW,), jnp.int32),
            pltpu.VMEM((_TPW,), jnp.int32),
            pltpu.VMEM((_TPW, _D), jnp.float32),
            pltpu.SemaphoreType.DMA,
        ],
    )
    def k(flat_hbm, p0_hbm, p1_hbm, out_hbm, idx0_v, idx1_v, rows_v, sem):
        wid = lax.axis_index("s") * _NC + lax.axis_index("c")
        base = wid * _TPW
        pltpu.sync_copy(p0_hbm.at[pl.ds(base, _TPW)], idx0_v)
        pltpu.sync_copy(p1_hbm.at[pl.ds(base, _TPW)], idx1_v)
        pltpu.sync_copy(flat_hbm.at[pl.ds(base, _TPW)], rows_v)
        c0 = pltpu.async_copy(rows_v, out_hbm.at[idx0_v], sem)
        c1 = pltpu.async_copy(rows_v, out_hbm.at[idx1_v], sem)
        c0.wait()
        c1.wait()

    return k(flat, pos0, pos1)


def _gather_sc(y, pos0, pos1):
    mesh = plsc.VectorSubcoreMesh(core_axis_name="c", subcore_axis_name="s")

    half = _TPW // 2

    @functools.partial(
        pl.kernel, mesh=mesh,
        out_type=[jax.ShapeDtypeStruct((_T, _D), jnp.float32),
                  jax.ShapeDtypeStruct((_T, _D), jnp.float32)],
        scratch_types=[
            pltpu.VMEM((_TPW,), jnp.int32),
            pltpu.VMEM((_TPW,), jnp.int32),
            pltpu.VMEM((half, _D), jnp.float32),
            pltpu.VMEM((half, _D), jnp.float32),
            pltpu.SemaphoreType.DMA,
            pltpu.SemaphoreType.DMA,
        ],
    )
    def k(y_hbm, p0_hbm, p1_hbm, y0_hbm, y1_hbm, idx0_v, idx1_v, r0_v, r1_v,
          semg, sems):
        wid = lax.axis_index("s") * _NC + lax.axis_index("c")
        base = wid * _TPW
        pltpu.sync_copy(p0_hbm.at[pl.ds(base, _TPW)], idx0_v)
        pltpu.sync_copy(p1_hbm.at[pl.ds(base, _TPW)], idx1_v)
        for h in range(2):
            g0 = pltpu.async_copy(
                y_hbm.at[idx0_v.at[pl.ds(h * half, half)]], r0_v, semg)
            g1 = pltpu.async_copy(
                y_hbm.at[idx1_v.at[pl.ds(h * half, half)]], r1_v, semg)
            g0.wait()
            s0 = pltpu.async_copy(
                r0_v, y0_hbm.at[pl.ds(base + h * half, half)], sems)
            g1.wait()
            s1 = pltpu.async_copy(
                r1_v, y1_hbm.at[pl.ds(base + h * half, half)], sems)
            s0.wait()
            s1.wait()

    return k(y, pos0, pos1)


def _combine_body(sh_ref, y0_ref, y1_ref, w01_ref, out_ref):
    wt = jnp.transpose(w01_ref[...])
    w0 = wt[:, 0:1]
    w1 = wt[:, 1:2]
    out_ref[...] = sh_ref[...] + w0 * y0_ref[...] + w1 * y1_ref[...]


def _combine_tc(shared, y0, y1, w01, interpret=False):
    nblk = 4
    rows = _T // nblk
    return pl.pallas_call(
        _combine_body,
        grid=(nblk,),
        in_specs=[
            pl.BlockSpec((rows, _D), lambda i: (i, 0)),
            pl.BlockSpec((rows, _D), lambda i: (i, 0)),
            pl.BlockSpec((rows, _D), lambda i: (i, 0)),
            pl.BlockSpec((2, rows), lambda i: (0, i)),
        ],
        out_specs=pl.BlockSpec((rows, _D), lambda i: (i, 0)),
        out_shape=jax.ShapeDtypeStruct((_T, _D), jnp.float32),
        interpret=interpret,
    )(shared, y0, y1, w01)


@jax.jit
def kernel(hidden_states, router_w, w_gate, w_up, w_down,
           sh_gate, sh_up, sh_down):
    flat = hidden_states.reshape(_T, _D)
    logits, w01, pos0, pos1, te = _router_tc(flat, router_w)
    tile_expert = te.reshape(_NT + 1)
    x_sorted = _dispatch_sc(flat, pos0, pos1)
    shared = _shared_tc(flat, sh_gate, sh_up, sh_down)
    y = _grouped_tc(tile_expert, x_sorted, w_gate, w_up, w_down)
    y0, y1 = _gather_sc(y, pos0, pos1)
    out = _combine_tc(shared, y0, y1, w01)
    return out.reshape(_B, _S, _D), logits

# --- scband reference (transcript-rebuilt; emitter-appended) ---
"""Pipeline reference for scband-mo-egrouped-gemm-37933151158614 (READ-ONLY COPY).

The authoritative reference and input builder live on the scoring server;
editing this copy changes nothing except your own understanding.
"""

import jax, jax.numpy as jnp
import numpy as np

B, S, D = 1, 2048, 1024
E, TOPK = 8, 2
FF, FF_SH = 256, 512


def setup_inputs(seed: int = 0) -> dict:
    key = jax.random.key(seed)
    ks = jax.random.split(key, 8)
    hidden_states = jax.random.normal(ks[0], (B, S, D), dtype=jnp.float32)
    router_w = jax.random.normal(ks[1], (D, E), dtype=jnp.float32) * 0.02
    w_gate = jax.random.normal(ks[2], (E, D, FF), dtype=jnp.float32) * 0.02
    w_up = jax.random.normal(ks[3], (E, D, FF), dtype=jnp.float32) * 0.02
    w_down = jax.random.normal(ks[4], (E, FF, D), dtype=jnp.float32) * 0.02
    sh_gate = jax.random.normal(ks[5], (D, FF_SH), dtype=jnp.float32) * 0.02
    sh_up = jax.random.normal(ks[6], (D, FF_SH), dtype=jnp.float32) * 0.02
    sh_down = jax.random.normal(ks[7], (FF_SH, D), dtype=jnp.float32) * 0.02
    return {
        "hidden_states": hidden_states,
        "router_w": router_w,
        "w_gate": w_gate,
        "w_up": w_up,
        "w_down": w_down,
        "sh_gate": sh_gate,
        "sh_up": sh_up,
        "sh_down": sh_down,
    }


def reference(hidden_states, router_w, w_gate, w_up, w_down, sh_gate, sh_up, sh_down):
    bsz, seq, dim = hidden_states.shape
    flat = hidden_states.reshape(-1, dim)  # [T, D]
    # Router: logits -> softmax -> top-k -> renormalize
    router_logits = flat @ router_w  # [T, E]
    probs = jax.nn.softmax(router_logits, axis=-1)
    topk_w, topk_idx = jax.lax.top_k(probs, TOPK)  # [T, k]
    topk_w = topk_w / jnp.sum(topk_w, axis=-1, keepdims=True)
    # Shared expert (SwiGLU)
    shared_out = (jax.nn.silu(flat @ sh_gate) * (flat @ sh_up)) @ sh_down  # [T, D]
    # Combine weights per (token, expert): sum over k of weight * one_hot(idx)
    comb = jnp.sum(jax.nn.one_hot(topk_idx, E, dtype=flat.dtype) * topk_w[..., None], axis=1)  # [T, E]
    # Grouped expert SwiGLU FFN (all-experts dense form; same math as masked dispatch)
    g = jnp.einsum('td,edf->etf', flat, w_gate)  # [E, T, FF]
    u = jnp.einsum('td,edf->etf', flat, w_up)    # [E, T, FF]
    h = jax.nn.silu(g) * u
    eo = jnp.einsum('etf,efd->etd', h, w_down)   # [E, T, D]
    routed_out = jnp.einsum('te,etd->td', comb, eo)  # [T, D]
    output = (shared_out + routed_out).reshape(bsz, seq, dim)
    return output, router_logits

if __name__ == "__main__":
    import jax
    _d = setup_inputs()
    print(jax.jit(kernel)(*tuple(_d.values())))

</pallas_src>

<mosaic_0001>
#map = affine_map<(d0, d1) -> (0, 0)>
#map1 = affine_map<(d0, d1) -> (0)>
module attributes {stable_mosaic.version = 14 : i64} {
  func.func @k(%arg0: i32, %arg1: i32, %arg2: memref<2048x1024xf32, #tpu.memory_space<hbm>>, %arg3: memref<2048xi32, #tpu.memory_space<hbm>>, %arg4: memref<2048xi32, #tpu.memory_space<hbm>>, %arg5: memref<6144x1024xf32, #tpu.memory_space<hbm>>, %arg6: memref<64xi32, #tpu.memory_space<vmem>>, %arg7: memref<64xi32, #tpu.memory_space<vmem>>, %arg8: memref<64x1024xf32, #tpu.memory_space<vmem>>, %arg9: memref<!tpu.dma_semaphore, #tpu.memory_space<semaphore_mem>>) attributes {dimension_semantics = [#tpu.dimension_semantics<core_parallel>, #tpu.dimension_semantics<subcore_parallel>], iteration_bounds = array<i64: 2, 16>, scalar_prefetch = 0 : i64, scratch_operands = 4 : i64, tpu.core_type = #tpu.core_type<sc_vector_subcore>, window_params = [{transform_indices = #map}, {transform_indices = #map1}, {transform_indices = #map1}, {transform_indices = #map}]} {
    %mul3A = arith.constant 2 : i32
    %mul3A_0 = arith.muli %arg1, %mul3A : i32
    %add3A = arith.addi %mul3A_0, %arg0 : i32
    %mul3A_1 = arith.constant 64 : i32
    %mul3A_2 = arith.muli %add3A, %mul3A_1 : i32
    "tpu.region"() ({
      %run_scoped3A = tpu.sem_alloc : memref<!tpu.dma_semaphore, #tpu.memory_space<semaphore_mem>>
      %dma_start3A_13 = tpu.memref_slice %arg3[%mul3A_2] : memref<2048xi32, #tpu.memory_space<hbm>> -> memref<64xi32, #tpu.memory_space<hbm>>
      %dma_start3A_14 = tpu.memref_slice %arg3[%mul3A_2] : memref<2048xi32, #tpu.memory_space<hbm>> -> memref<64xi32, #tpu.memory_space<hbm>>
      tpu.enqueue_dma source(%dma_start3A_14 : memref<64xi32, #tpu.memory_space<hbm>>) target(%arg6 : memref<64xi32, #tpu.memory_space<vmem>>) target_semaphore(%run_scoped3A : memref<!tpu.dma_semaphore, #tpu.memory_space<semaphore_mem>>)
      %dma_wait3A_15 = tpu.memref_slice %arg3[%mul3A_2] : memref<2048xi32, #tpu.memory_space<hbm>> -> memref<64xi32, #tpu.memory_space<hbm>>
      %dma_wait3A_16 = tpu.memref_slice %arg3[%mul3A_2] : memref<2048xi32, #tpu.memory_space<hbm>> -> memref<64xi32, #tpu.memory_space<hbm>>
      tpu.wait_dma2 semaphore(%run_scoped3A : memref<!tpu.dma_semaphore, #tpu.memory_space<semaphore_mem>>) src(%dma_wait3A_16 : memref<64xi32, #tpu.memory_space<hbm>>) dst(%arg6 : memref<64xi32, #tpu.memory_space<vmem>>)
      tpu.yield
    }) : () -> ()
    "tpu.region"() ({
      %run_scoped3A = tpu.sem_alloc : memref<!tpu.dma_semaphore, #tpu.memory_space<semaphore_mem>>
      %dma_start3A_13 = tpu.memref_slice %arg4[%mul3A_2] : memref<2048xi32, #tpu.memory_space<hbm>> -> memref<64xi32, #tpu.memory_space<hbm>>
      %dma_start3A_14 = tpu.memref_slice %arg4[%mul3A_2] : memref<2048xi32, #tpu.memory_space<hbm>> -> memref<64xi32, #tpu.memory_space<hbm>>
      tpu.enqueue_dma source(%dma_start3A_14 : memref<64xi32, #tpu.memory_space<hbm>>) target(%arg7 : memref<64xi32, #tpu.memory_space<vmem>>) target_semaphore(%run_scoped3A : memref<!tpu.dma_semaphore, #tpu.memory_space<semaphore_mem>>)
      %dma_wait3A_15 = tpu.memref_slice %arg4[%mul3A_2] : memref<2048xi32, #tpu.memory_space<hbm>> -> memref<64xi32, #tpu.memory_space<hbm>>
      %dma_wait3A_16 = tpu.memref_slice %arg4[%mul3A_2] : memref<2048xi32, #tpu.memory_space<hbm>> -> memref<64xi32, #tpu.memory_space<hbm>>
      tpu.wait_dma2 semaphore(%run_scoped3A : memref<!tpu.dma_semaphore, #tpu.memory_space<semaphore_mem>>) src(%dma_wait3A_16 : memref<64xi32, #tpu.memory_space<hbm>>) dst(%arg7 : memref<64xi32, #tpu.memory_space<vmem>>)
      tpu.yield
    }) : () -> ()
    "tpu.region"() ({
      %run_scoped3A = tpu.sem_alloc : memref<!tpu.dma_semaphore, #tpu.memory_space<semaphore_mem>>
      %dma_start3A_13 = arith.constant 0 : i32
      %dma_start3A_14 = tpu.memref_slice %arg2[%mul3A_2, %dma_start3A_13] : memref<2048x1024xf32, #tpu.memory_space<hbm>> -> memref<64x1024xf32, #tpu.memory_space<hbm>>
      %dma_start3A_15 = arith.constant 0 : i32
      %dma_start3A_16 = tpu.memref_slice %arg2[%mul3A_2, %dma_start3A_15] : memref<2048x1024xf32, #tpu.memory_space<hbm>> -> memref<64x1024xf32, #tpu.memory_space<hbm>>
      tpu.enqueue_dma source(%dma_start3A_16 : memref<64x1024xf32, #tpu.memory_space<hbm>>) target(%arg8 : memref<64x1024xf32, #tpu.memory_space<vmem>>) target_semaphore(%run_scoped3A : memref<!tpu.dma_semaphore, #tpu.memory_space<semaphore_mem>>)
      %dma_wait3A_17 = arith.constant 0 : i32
      %dma_wait3A_18 = tpu.memref_slice %arg2[%mul3A_2, %dma_wait3A_17] : memref<2048x1024xf32, #tpu.memory_space<hbm>> -> memref<64x1024xf32, #tpu.memory_space<hbm>>
      %dma_wait3A_19 = arith.constant 0 : i32
      %dma_wait3A_20 = tpu.memref_slice %arg2[%mul3A_2, %dma_wait3A_19] : memref<2048x1024xf32, #tpu.memory_space<hbm>> -> memref<64x1024xf32, #tpu.memory_space<hbm>>
      tpu.wait_dma2 semaphore(%run_scoped3A : memref<!tpu.dma_semaphore, #tpu.memory_space<semaphore_mem>>) src(%dma_wait3A_20 : memref<64x1024xf32, #tpu.memory_space<hbm>>) dst(%arg8 : memref<64x1024xf32, #tpu.memory_space<vmem>>)
      tpu.yield
    }) : () -> ()
    %dma_start3A = arith.constant 0 : i32
    %dma_start3A_3 = arith.constant 0 : i32
    %dma_start3A_4 = tpu.memref_slice %arg5[%dma_start3A, %dma_start3A_3] : memref<6144x1024xf32, #tpu.memory_space<hbm>> -> memref<6144x1024xf32, #tpu.memory_space<hbm>>
    tpu.enqueue_indirect_dma source(%arg8 : memref<64x1024xf32, #tpu.memory_space<vmem>>) target(%dma_start3A_4 : memref<6144x1024xf32, #tpu.memory_space<hbm>>) offsets(%arg6 : memref<64xi32, #tpu.memory_space<vmem>>) semaphore(%arg9 : memref<!tpu.dma_semaphore, #tpu.memory_space<semaphore_mem>>)
    %dma_start3A_5 = arith.constant 0 : i32
    %dma_start3A_6 = arith.constant 0 : i32
    %dma_start3A_7 = tpu.memref_slice %arg5[%dma_start3A_5, %dma_start3A_6] : memref<6144x1024xf32, #tpu.memory_space<hbm>> -> memref<6144x1024xf32, #tpu.memory_space<hbm>>
    tpu.enqueue_indirect_dma source(%arg8 : memref<64x1024xf32, #tpu.memory_space<vmem>>) target(%dma_start3A_7 : memref<6144x1024xf32, #tpu.memory_space<hbm>>) offsets(%arg7 : memref<64xi32, #tpu.memory_space<vmem>>) semaphore(%arg9 : memref<!tpu.dma_semaphore, #tpu.memory_space<semaphore_mem>>)
    %dma_wait3A = arith.constant 0 : i32
    %dma_wait3A_8 = arith.constant 0 : i32
    %dma_wait3A_9 = tpu.memref_slice %arg5[%dma_wait3A, %dma_wait3A_8] : memref<6144x1024xf32, #tpu.memory_space<hbm>> -> memref<6144x1024xf32, #tpu.memory_space<hbm>>
    tpu.wait_indirect_dma semaphore(%arg9 : memref<!tpu.dma_semaphore, #tpu.memory_space<semaphore_mem>>) src(%arg8 : memref<64x1024xf32, #tpu.memory_space<vmem>>) dst(%dma_wait3A_9 : memref<6144x1024xf32, #tpu.memory_space<hbm>>)
    %dma_wait3A_10 = arith.constant 0 : i32
    %dma_wait3A_11 = arith.constant 0 : i32
    %dma_wait3A_12 = tpu.memref_slice %arg5[%dma_wait3A_10, %dma_wait3A_11] : memref<6144x1024xf32, #tpu.memory_space<hbm>> -> memref<6144x1024xf32, #tpu.memory_space<hbm>>
    tpu.wait_indirect_dma semaphore(%arg9 : memref<!tpu.dma_semaphore, #tpu.memory_space<semaphore_mem>>) src(%arg8 : memref<64x1024xf32, #tpu.memory_space<vmem>>) dst(%dma_wait3A_12 : memref<6144x1024xf32, #tpu.memory_space<hbm>>)
    return
  }
}

#map = affine_map<(d0, d1) -> (0, 0)>
#map1 = affine_map<(d0, d1) -> (0)>
module attributes {stable_mosaic.version = 14 : i64} {
  func.func @k(%arg0: i32, %arg1: i32, %arg2: memref<6144x1024xf32, #tpu.memory_space<hbm>>, %arg3: memref<2048xi32, #tpu.memory_space<hbm>>, %arg4: memref<2048xi32, #tpu.memory_space<hbm>>, %arg5: memref<2048x1024xf32, #tpu.memory_space<hbm>>, %arg6: memref<2048x1024xf32, #tpu.memory_space<hbm>>, %arg7: memref<64xi32, #tpu.memory_space<vmem>>, %arg8: memref<64xi32, #tpu.memory_space<vmem>>, %arg9: memref<32x1024xf32, #tpu.memory_space<vmem>>, %arg10: memref<32x1024xf32, #tpu.memory_space<vmem>>, %arg11: memref<!tpu.dma_semaphore, #tpu.memory_space<semaphore_mem>>, %arg12: memref<!tpu.dma_semaphore, #tpu.memory_space<semaphore_mem>>) attributes {dimension_semantics = [#tpu.dimension_semantics<core_parallel>, #tpu.dimension_semantics<subcore_parallel>], iteration_bounds = array<i64: 2, 16>, scalar_prefetch = 0 : i64, scratch_operands = 6 : i64, tpu.core_type = #tpu.core_type<sc_vector_subcore>, window_params = [{transform_indices = #map}, {transform_indices = #map1}, {transform_indices = #map1}, {transform_indices = #map}, {transform_indices = #map}]} {
    %mul3A = arith.constant 2 : i32
    %mul3A_0 = arith.muli %arg1, %mul3A : i32
    %add3A = arith.addi %mul3A_0, %arg0 : i32
    %mul3A_1 = arith.constant 64 : i32
    %mul3A_2 = arith.muli %add3A, %mul3A_1 : i32
    "tpu.region"() ({
      %run_scoped3A = tpu.sem_alloc : memref<!tpu.dma_semaphore, #tpu.memory_space<semaphore_mem>>
      %dma_start3A_81 = tpu.memref_slice %arg3[%mul3A_2] : memref<2048xi32, #tpu.memory_space<hbm>> -> memref<64xi32, #tpu.memory_space<hbm>>
      %dma_start3A_82 = tpu.memref_slice %arg3[%mul3A_2] : memref<2048xi32, #tpu.memory_space<hbm>> -> memref<64xi32, #tpu.memory_space<hbm>>
      tpu.enqueue_dma source(%dma_start3A_82 : memref<64xi32, #tpu.memory_space<hbm>>) target(%arg7 : memref<64xi32, #tpu.memory_space<vmem>>) target_semaphore(%run_scoped3A : memref<!tpu.dma_semaphore, #tpu.memory_space<semaphore_mem>>)
      %dma_wait3A_83 = tpu.memref_slice %arg3[%mul3A_2] : memref<2048xi32, #tpu.memory_space<hbm>> -> memref<64xi32, #tpu.memory_space<hbm>>
      %dma_wait3A_84 = tpu.memref_slice %arg3[%mul3A_2] : memref<2048xi32, #tpu.memory_space<hbm>> -> memref<64xi32, #tpu.memory_space<hbm>>
      tpu.wait_dma2 semaphore(%run_scoped3A : memref<!tpu.dma_semaphore, #tpu.memory_space<semaphore_mem>>) src(%dma_wait3A_84 : memref<64xi32, #tpu.memory_space<hbm>>) dst(%arg7 : memref<64xi32, #tpu.memory_space<vmem>>)
      tpu.yield
    }) : () -> ()
    "tpu.region"() ({
      %run_scoped3A = tpu.sem_alloc : memref<!tpu.dma_semaphore, #tpu.memory_space<semaphore_mem>>
      %dma_start3A_81 = tpu.memref_slice %arg4[%mul3A_2] : memref<2048xi32, #tpu.memory_space<hbm>> -> memref<64xi32, #tpu.memory_space<hbm>>
      %dma_start3A_82 = tpu.memref_slice %arg4[%mul3A_2] : memref<2048xi32, #tpu.memory_space<hbm>> -> memref<64xi32, #tpu.memory_space<hbm>>
      tpu.enqueue_dma source(%dma_start3A_82 : memref<64xi32, #tpu.memory_space<hbm>>) target(%arg8 : memref<64xi32, #tpu.memory_space<vmem>>) target_semaphore(%run_scoped3A : memref<!tpu.dma_semaphore, #tpu.memory_space<semaphore_mem>>)
      %dma_wait3A_83 = tpu.memref_slice %arg4[%mul3A_2] : memref<2048xi32, #tpu.memory_space<hbm>> -> memref<64xi32, #tpu.memory_space<hbm>>
      %dma_wait3A_84 = tpu.memref_slice %arg4[%mul3A_2] : memref<2048xi32, #tpu.memory_space<hbm>> -> memref<64xi32, #tpu.memory_space<hbm>>
      tpu.wait_dma2 semaphore(%run_scoped3A : memref<!tpu.dma_semaphore, #tpu.memory_space<semaphore_mem>>) src(%dma_wait3A_84 : memref<64xi32, #tpu.memory_space<hbm>>) dst(%arg8 : memref<64xi32, #tpu.memory_space<vmem>>)
      tpu.yield
    }) : () -> ()
    %dma_start3A = arith.constant 0 : i32
    %dma_start3A_3 = tpu.memref_slice %arg7[%dma_start3A] : memref<64xi32, #tpu.memory_space<vmem>> -> memref<32xi32, #tpu.memory_space<vmem>>
    %dma_start3A_4 = arith.constant 0 : i32
    %dma_start3A_5 = arith.constant 0 : i32
    %dma_start3A_6 = tpu.memref_slice %arg2[%dma_start3A_4, %dma_start3A_5] : memref<6144x1024xf32, #tpu.memory_space<hbm>> -> memref<6144x1024xf32, #tpu.memory_space<hbm>>
    tpu.enqueue_indirect_dma source(%dma_start3A_6 : memref<6144x1024xf32, #tpu.memory_space<hbm>>) target(%arg9 : memref<32x1024xf32, #tpu.memory_space<vmem>>) offsets(%dma_start3A_3 : memref<32xi32, #tpu.memory_space<vmem>>) semaphore(%arg11 : memref<!tpu.dma_semaphore, #tpu.memory_space<semaphore_mem>>)
    %dma_start3A_7 = arith.constant 0 : i32
    %dma_start3A_8 = tpu.memref_slice %arg8[%dma_start3A_7] : memref<64xi32, #tpu.memory_space<vmem>> -> memref<32xi32, #tpu.memory_space<vmem>>
    %dma_start3A_9 = arith.constant 0 : i32
    %dma_start3A_10 = arith.constant 0 : i32
    %dma_start3A_11 = tpu.memref_slice %arg2[%dma_start3A_9, %dma_start3A_10] : memref<6144x1024xf32, #tpu.memory_space<hbm>> -> memref<6144x1024xf32, #tpu.memory_space<hbm>>
    tpu.enqueue_indirect_dma source(%dma_start3A_11 : memref<6144x1024xf32, #tpu.memory_space<hbm>>) target(%arg10 : memref<32x1024xf32, #tpu.memory_space<vmem>>) offsets(%dma_start3A_8 : memref<32xi32, #tpu.memory_space<vmem>>) semaphore(%arg11 : memref<!tpu.dma_semaphore, #tpu.memory_space<semaphore_mem>>)
    %dma_wait3A = arith.constant 0 : i32
    %dma_wait3A_12 = tpu.memref_slice %arg7[%dma_wait3A] : memref<64xi32, #tpu.memory_space<vmem>> -> memref<32xi32, #tpu.memory_space<vmem>>
    %dma_wait3A_13 = arith.constant 0 : i32
    %dma_wait3A_14 = arith.constant 0 : i32
    %dma_wait3A_15 = tpu.memref_slice %arg2[%dma_wait3A_13, %dma_wait3A_14] : memref<6144x1024xf32, #tpu.memory_space<hbm>> -> memref<6144x1024xf32, #tpu.memory_space<hbm>>
    tpu.wait_indirect_dma semaphore(%arg11 : memref<!tpu.dma_semaphore, #tpu.memory_space<semaphore_mem>>) src(%dma_wait3A_15 : memref<6144x1024xf32, #tpu.memory_space<hbm>>) dst(%arg9 : memref<32x1024xf32, #tpu.memory_space<vmem>>)
    %add3A_16 = arith.constant 0 : i32
    %add3A_17 = arith.addi %mul3A_2, %add3A_16 : i32
    %dma_start3A_18 = arith.constant 0 : i32
    %dma_start3A_19 = tpu.memref_slice %arg5[%add3A_17, %dma_start3A_18] : memref<2048x1024xf32, #tpu.memory_space<hbm>> -> memref<32x1024xf32, #tpu.memory_space<hbm>>
    %dma_start3A_20 = arith.constant 0 : i32
    %dma_start3A_21 = tpu.memref_slice %arg5[%add3A_17, %dma_start3A_20] : memref<2048x1024xf32, #tpu.memory_space<hbm>> -> memref<32x1024xf32, #tpu.memory_space<hbm>>
    tpu.enqueue_dma source(%arg9 : memref<32x1024xf32, #tpu.memory_space<vmem>>) target(%dma_start3A_21 : memref<32x1024xf32, #tpu.memory_space<hbm>>) target_semaphore(%arg12 : memref<!tpu.dma_semaphore, #tpu.memory_space<semaphore_mem>>)
    %dma_wait3A_22 = arith.constant 0 : i32
    %dma_wait3A_23 = tpu.memref_slice %arg8[%dma_wait3A_22] : memref<64xi32, #tpu.memory_space<vmem>> -> memref<32xi32, #tpu.memory_space<vmem>>
    %dma_wait3A_24 = arith.constant 0 : i32
    %dma_wait3A_25 = arith.constant 0 : i32
    %dma_wait3A_26 = tpu.memref_slice %arg2[%dma_wait3A_24, %dma_wait3A_25] : memref<6144x1024xf32, #tpu.memory_space<hbm>> -> memref<6144x1024xf32, #tpu.memory_space<hbm>>
    tpu.wait_indirect_dma semaphore(%arg11 : memref<!tpu.dma_semaphore, #tpu.memory_space<semaphore_mem>>) src(%dma_wait3A_26 : memref<6144x1024xf32, #tpu.memory_space<hbm>>) dst(%arg10 : memref<32x1024xf32, #tpu.memory_space<vmem>>)
    %add3A_27 = arith.constant 0 : i32
    %add3A_28 = arith.addi %mul3A_2, %add3A_27 : i32
    %dma_start3A_29 = arith.constant 0 : i32
    %dma_start3A_30 = tpu.memref_slice %arg6[%add3A_28, %dma_start3A_29] : memref<2048x1024xf32, #tpu.memory_space<hbm>> -> memref<32x1024xf32, #tpu.memory_space<hbm>>
    %dma_start3A_31 = arith.constant 0 : i32
    %dma_start3A_32 = tpu.memref_slice %arg6[%add3A_28, %dma_start3A_31] : memref<2048x1024xf32, #tpu.memory_space<hbm>> -> memref<32x1024xf32, #tpu.memory_space<hbm>>
    tpu.enqueue_dma source(%arg10 : memref<32x1024xf32, #tpu.memory_space<vmem>>) target(%dma_start3A_32 : memref<32x1024xf32, #tpu.memory_space<hbm>>) target_semaphore(%arg12 : memref<!tpu.dma_semaphore, #tpu.memory_space<semaphore_mem>>)
    %dma_wait3A_33 = arith.constant 0 : i32
    %dma_wait3A_34 = tpu.memref_slice %arg5[%add3A_17, %dma_wait3A_33] : memref<2048x1024xf32, #tpu.memory_space<hbm>> -> memref<32x1024xf32, #tpu.memory_space<hbm>>
    %dma_wait3A_35 = arith.constant 0 : i32
    %dma_wait3A_36 = tpu.memref_slice %arg5[%add3A_17, %dma_wait3A_35] : memref<2048x1024xf32, #tpu.memory_space<hbm>> -> memref<32x1024xf32, #tpu.memory_space<hbm>>
    tpu.wait_dma2 semaphore(%arg12 : memref<!tpu.dma_semaphore, #tpu.memory_space<semaphore_mem>>) src(%arg9 : memref<32x1024xf32, #tpu.memory_space<vmem>>) dst(%dma_wait3A_36 : memref<32x1024xf32, #tpu.memory_space<hbm>>)
    %dma_wait3A_37 = arith.constant 0 : i32
    %dma_wait3A_38 = tpu.memref_slice %arg6[%add3A_28, %dma_wait3A_37] : memref<2048x1024xf32, #tpu.memory_space<hbm>> -> memref<32x1024xf32, #tpu.memory_space<hbm>>
    %dma_wait3A_39 = arith.constant 0 : i32
    %dma_wait3A_40 = tpu.memref_slice %arg6[%add3A_28, %dma_wait3A_39] : memref<2048x1024xf32, #tpu.memory_space<hbm>> -> memref<32x1024xf32, #tpu.memory_space<hbm>>
    tpu.wait_dma2 semaphore(%arg12 : memref<!tpu.dma_semaphore, #tpu.memory_space<semaphore_mem>>) src(%arg10 : memref<32x1024xf32, #tpu.memory_space<vmem>>) dst(%dma_wait3A_40 : memref<32x1024xf32, #tpu.memory_space<hbm>>)
    %dma_start3A_41 = arith.constant 32 : i32
    %dma_start3A_42 = tpu.memref_slice %arg7[%dma_start3A_41] : memref<64xi32, #tpu.memory_space<vmem>> -> memref<32xi32, #tpu.memory_space<vmem>>
    %dma_start3A_43 = arith.constant 0 : i32
    %dma_start3A_44 = arith.constant 0 : i32
    %dma_start3A_45 = tpu.memref_slice %arg2[%dma_start3A_43, %dma_start3A_44] : memref<6144x1024xf32, #tpu.memory_space<hbm>> -> memref<6144x1024xf32, #tpu.memory_space<hbm>>
    tpu.enqueue_indirect_dma source(%dma_start3A_45 : memref<6144x1024xf32, #tpu.memory_space<hbm>>) target(%arg9 : memref<32x1024xf32, #tpu.memory_space<vmem>>) offsets(%dma_start3A_42 : memref<32xi32, #tpu.memory_space<vmem>>) semaphore(%arg11 : memref<!tpu.dma_semaphore, #tpu.memory_space<semaphore_mem>>)
    %dma_start3A_46 = arith.constant 32 : i32
    %dma_start3A_47 = tpu.memref_slice %arg8[%dma_start3A_46] : memref<64xi32, #tpu.memory_space<vmem>> -> memref<32xi32, #tpu.memory_space<vmem>>
    %dma_start3A_48 = arith.constant 0 : i32
    %dma_start3A_49 = arith.constant 0 : i32
    %dma_start3A_50 = tpu.memref_slice %arg2[%dma_start3A_48, %dma_start3A_49] : memref<6144x1024xf32, #tpu.memory_space<hbm>> -> memref<6144x1024xf32, #tpu.memory_space<hbm>>
    tpu.enqueue_indirect_dma source(%dma_start3A_50 : memref<6144x1024xf32, #tpu.memory_space<hbm>>) target(%arg10 : memref<32x1024xf32, #tpu.memory_space<vmem>>) offsets(%dma_start3A_47 : memref<32xi32, #tpu.memory_space<vmem>>) semaphore(%arg11 : memref<!tpu.dma_semaphore, #tpu.memory_space<semaphore_mem>>)
    %dma_wait3A_51 = arith.constant 32 : i32
    %dma_wait3A_52 = tpu.memref_slice %arg7[%dma_wait3A_51] : memref<64xi32, #tpu.memory_space<vmem>> -> memref<32xi32, #tpu.memory_space<vmem>>
    %dma_wait3A_53 = arith.constant 0 : i32
    %dma_wait3A_54 = arith.constant 0 : i32
    %dma_wait3A_55 = tpu.memref_slice %arg2[%dma_wait3A_53, %dma_wait3A_54] : memref<6144x1024xf32, #tpu.memory_space<hbm>> -> memref<6144x1024xf32, #tpu.memory_space<hbm>>
    tpu.wait_indirect_dma semaphore(%arg11 : memref<!tpu.dma_semaphore, #tpu.memory_space<semaphore_mem>>) src(%dma_wait3A_55 : memref<6144x1024xf32, #tpu.memory_space<hbm>>) dst(%arg9 : memref<32x1024xf32, #tpu.memory_space<vmem>>)
    %add3A_56 = arith.constant 32 : i32
    %add3A_57 = arith.addi %mul3A_2, %add3A_56 : i32
    %dma_start3A_58 = arith.constant 0 : i32
    %dma_start3A_59 = tpu.memref_slice %arg5[%add3A_57, %dma_start3A_58] : memref<2048x1024xf32, #tpu.memory_space<hbm>> -> memref<32x1024xf32, #tpu.memory_space<hbm>>
    %dma_start3A_60 = arith.constant 0 : i32
    %dma_start3A_61 = tpu.memref_slice %arg5[%add3A_57, %dma_start3A_60] : memref<2048x1024xf32, #tpu.memory_space<hbm>> -> memref<32x1024xf32, #tpu.memory_space<hbm>>
    tpu.enqueue_dma source(%arg9 : memref<32x1024xf32, #tpu.memory_space<vmem>>) target(%dma_start3A_61 : memref<32x1024xf32, #tpu.memory_space<hbm>>) target_semaphore(%arg12 : memref<!tpu.dma_semaphore, #tpu.memory_space<semaphore_mem>>)
    %dma_wait3A_62 = arith.constant 32 : i32
    %dma_wait3A_63 = tpu.memref_slice %arg8[%dma_wait3A_62] : memref<64xi32, #tpu.memory_space<vmem>> -> memref<32xi32, #tpu.memory_space<vmem>>
    %dma_wait3A_64 = arith.constant 0 : i32
    %dma_wait3A_65 = arith.constant 0 : i32
    %dma_wait3A_66 = tpu.memref_slice %arg2[%dma_wait3A_64, %dma_wait3A_65] : memref<6144x1024xf32, #tpu.memory_space<hbm>> -> memref<6144x1024xf32, #tpu.memory_space<hbm>>
    tpu.wait_indirect_dma semaphore(%arg11 : memref<!tpu.dma_semaphore, #tpu.memory_space<semaphore_mem>>) src(%dma_wait3A_66 : memref<6144x1024xf32, #tpu.memory_space<hbm>>) dst(%arg10 : memref<32x1024xf32, #tpu.memory_space<vmem>>)
    %add3A_67 = arith.constant 32 : i32
    %add3A_68 = arith.addi %mul3A_2, %add3A_67 : i32
    %dma_start3A_69 = arith.constant 0 : i32
    %dma_start3A_70 = tpu.memref_slice %arg6[%add3A_68, %dma_start3A_69] : memref<2048x1024xf32, #tpu.memory_space<hbm>> -> memref<32x1024xf32, #tpu.memory_space<hbm>>
    %dma_start3A_71 = arith.constant 0 : i32
    %dma_start3A_72 = tpu.memref_slice %arg6[%add3A_68, %dma_start3A_71] : memref<2048x1024xf32, #tpu.memory_space<hbm>> -> memref<32x1024xf32, #tpu.memory_space<hbm>>
    tpu.enqueue_dma source(%arg10 : memref<32x1024xf32, #tpu.memory_space<vmem>>) target(%dma_start3A_72 : memref<32x1024xf32, #tpu.memory_space<hbm>>) target_semaphore(%arg12 : memref<!tpu.dma_semaphore, #tpu.memory_space<semaphore_mem>>)
    %dma_wait3A_73 = arith.constant 0 : i32
    %dma_wait3A_74 = tpu.memref_slice %arg5[%add3A_57, %dma_wait3A_73] : memref<2048x1024xf32, #tpu.memory_space<hbm>> -> memref<32x1024xf32, #tpu.memory_space<hbm>>
    %dma_wait3A_75 = arith.constant 0 : i32
    %dma_wait3A_76 = tpu.memref_slice %arg5[%add3A_57, %dma_wait3A_75] : memref<2048x1024xf32, #tpu.memory_space<hbm>> -> memref<32x1024xf32, #tpu.memory_space<hbm>>
    tpu.wait_dma2 semaphore(%arg12 : memref<!tpu.dma_semaphore, #tpu.memory_space<semaphore_mem>>) src(%arg9 : memref<32x1024xf32, #tpu.memory_space<vmem>>) dst(%dma_wait3A_76 : memref<32x1024xf32, #tpu.memory_space<hbm>>)
    %dma_wait3A_77 = arith.constant 0 : i32
    %dma_wait3A_78 = tpu.memref_slice %arg6[%add3A_68, %dma_wait3A_77] : memref<2048x1024xf32, #tpu.memory_space<hbm>> -> memref<32x1024xf32, #tpu.memory_space<hbm>>
    %dma_wait3A_79 = arith.constant 0 : i32
    %dma_wait3A_80 = tpu.memref_slice %arg6[%add3A_68, %dma_wait3A_79] : memref<2048x1024xf32, #tpu.memory_space<hbm>> -> memref<32x1024xf32, #tpu.memory_space<hbm>>
    tpu.wait_dma2 semaphore(%arg12 : memref<!tpu.dma_semaphore, #tpu.memory_space<semaphore_mem>>) src(%arg10 : memref<32x1024xf32, #tpu.memory_space<vmem>>) dst(%dma_wait3A_80 : memref<32x1024xf32, #tpu.memory_space<hbm>>)
    return
  }
}

module attributes {stable_mosaic.version = 14 : i64} {
  func.func @_router_body(%arg0: memref<2048x1024xf32, #tpu.memory_space<vmem>>, %arg1: memref<1024x8xf32, #tpu.memory_space<vmem>>, %arg2: memref<2048x8xf32, #tpu.memory_space<vmem>>, %arg3: memref<2x2048xf32, #tpu.memory_space<vmem>>, %arg4: memref<2048xi32, #tpu.memory_space<vmem>>, %arg5: memref<2048xi32, #tpu.memory_space<vmem>>, %arg6: memref<1x25xi32, #tpu.memory_space<vmem>>) attributes {dimension_semantics = [], scalar_prefetch = 0 : i64, scratch_operands = 0 : i64, tpu.core_type = #tpu.core_type<tc>} {
    %get3A = arith.constant 0 : index
    %get3A_0 = arith.constant 0 : index
    %get3A_1 = vector.load %arg0[%get3A, %get3A_0] : memref<2048x1024xf32, #tpu.memory_space<vmem>>, vector<2048x1024xf32>
    %get3A_2 = arith.constant 0 : index
    %get3A_3 = arith.constant 0 : index
    %get3A_4 = vector.load %arg1[%get3A_2, %get3A_3] : memref<1024x8xf32, #tpu.memory_space<vmem>>, vector<1024x8xf32>
    %dot_general3A = arith.constant dense<0.000000e+00> : vector<2048x8xf32>
    %dot_general3A_5 = tpu.matmul %get3A_1, %get3A_4, %dot_general3A {dimension_numbers = #tpu.dot_dimension_numbers<[1], [0], [0], [1], [0, 0, 1, 1], [], []>, transpose_lhs_hint = false} : vector<2048x1024xf32>, vector<1024x8xf32>, vector<2048x8xf32> -> vector<2048x8xf32>
    %swap3A = arith.constant 0 : index
    %swap3A_6 = arith.constant 0 : index
    %swap3A_7 = vector.load %arg2[%swap3A, %swap3A_6] : memref<2048x8xf32, #tpu.memory_space<vmem>>, vector<2048x8xf32>
    tpu.vector_store %arg2[%swap3A, %swap3A_6], %dot_general3A_5 {strides = array<i32>} : memref<2048x8xf32, #tpu.memory_space<vmem>>, vector<2048x8xf32>,
    %transpose3A = tpu.transpose %dot_general3A_5, [1, 0] : vector<2048x8xf32> -> vector<8x2048xf32>
    %reduce_max3A = arith.constant dense<0xFF800000> : vector<2048xf32>
    %reduce_max3A_8 = vector.multi_reduction <maximumf>, %transpose3A, %reduce_max3A [0] : vector<8x2048xf32> to vector<2048xf32>
    %broadcast_in_dim3A = vector.shape_cast %reduce_max3A_8 : vector<2048xf32> to vector<1x2048xf32>
    %sub3A = vector.broadcast %broadcast_in_dim3A : vector<1x2048xf32> to vector<8x2048xf32>
    %sub3A_9 = arith.subf %transpose3A, %sub3A : vector<8x2048xf32>
    %exp3A = math.exp %sub3A_9 : vector<8x2048xf32>
    %iota3A = tpu.iota {dimensions = array<i32: 0>} : vector<8x2048xi32>
    %reduce_max3A_10 = arith.constant dense<0xFF800000> : vector<2048xf32>
    %reduce_max3A_11 = vector.multi_reduction <maximumf>, %exp3A, %reduce_max3A_10 [0] : vector<8x2048xf32> to vector<2048xf32>
    %broadcast_in_dim3A_12 = vector.shape_cast %reduce_max3A_11 : vector<2048xf32> to vector<1x2048xf32>
    %eq3A = vector.broadcast %broadcast_in_dim3A_12 : vector<1x2048xf32> to vector<8x2048xf32>
    %eq3A_13 = arith.cmpf oeq, %exp3A, %eq3A : vector<8x2048xf32>
    %jit3A = arith.constant 8 : i32
    %broadcast_in_dim3A_14 = vector.broadcast %jit3A : i32 to vector<8x2048xi32>
    %select_n3A = arith.select %eq3A_13, %iota3A, %broadcast_in_dim3A_14 : vector<8x2048xi1>, vector<8x2048xi32>
    %reduce_min3A = arith.constant dense<2147483647> : vector<2048xi32>
    %reduce_min3A_15 = vector.multi_reduction <minsi>, %select_n3A, %reduce_min3A [0] : vector<8x2048xi32> to vector<2048xi32>
    %broadcast_in_dim3A_16 = vector.shape_cast %reduce_min3A_15 : vector<2048xi32> to vector<1x2048xi32>
    %eq3A_17 = vector.broadcast %broadcast_in_dim3A_16 : vector<1x2048xi32> to vector<8x2048xi32>
    %eq3A_18 = arith.cmpi eq, %iota3A, %eq3A_17 : vector<8x2048xi32>
    %jit3A_19 = arith.constant 0xFF800000 : f32
    %broadcast_in_dim3A_20 = vector.broadcast %jit3A_19 : f32 to vector<8x2048xf32>
    %select_n3A_21 = arith.select %eq3A_18, %broadcast_in_dim3A_20, %exp3A : vector<8x2048xi1>, vector<8x2048xf32>
    %reduce_max3A_22 = arith.constant dense<0xFF800000> : vector<2048xf32>
    %reduce_max3A_23 = vector.multi_reduction <maximumf>, %select_n3A_21, %reduce_max3A_22 [0] : vector<8x2048xf32> to vector<2048xf32>
    %broadcast_in_dim3A_24 = vector.shape_cast %reduce_max3A_23 : vector<2048xf32> to vector<1x2048xf32>
    %eq3A_25 = vector.broadcast %broadcast_in_dim3A_24 : vector<1x2048xf32> to vector<8x2048xf32>
    %eq3A_26 = arith.cmpf oeq, %select_n3A_21, %eq3A_25 : vector<8x2048xf32>
    %jit3A_27 = arith.constant 8 : i32
    %broadcast_in_dim3A_28 = vector.broadcast %jit3A_27 : i32 to vector<8x2048xi32>
    %select_n3A_29 = arith.select %eq3A_26, %iota3A, %broadcast_in_dim3A_28 : vector<8x2048xi1>, vector<8x2048xi32>
    %reduce_min3A_30 = arith.constant dense<2147483647> : vector<2048xi32>
    %reduce_min3A_31 = vector.multi_reduction <minsi>, %select_n3A_29, %reduce_min3A_30 [0] : vector<8x2048xi32> to vector<2048xi32>
    %broadcast_in_dim3A_32 = vector.shape_cast %reduce_min3A_31 : vector<2048xi32> to vector<1x2048xi32>
    %add3A = arith.addf %broadcast_in_dim3A_12, %broadcast_in_dim3A_24 : vector<1x2048xf32>
    %div3A = arith.divf %broadcast_in_dim3A_12, %add3A : vector<1x2048xf32>
    %div3A_33 = arith.divf %broadcast_in_dim3A_24, %add3A : vector<1x2048xf32>
    %concatenate3A = tpu.concatenate %div3A, %div3A_33 in 0 : vector<1x2048xf32>, vector<1x2048xf32> -> vector<2x2048xf32>
    %swap3A_34 = arith.constant 0 : index
    %swap3A_35 = arith.constant 0 : index
    %swap3A_36 = vector.load %arg3[%swap3A_34, %swap3A_35] : memref<2x2048xf32, #tpu.memory_space<vmem>>, vector<2x2048xf32>
    tpu.vector_store %arg3[%swap3A_34, %swap3A_35], %concatenate3A {strides = array<i32>} : memref<2x2048xf32, #tpu.memory_space<vmem>>, vector<2x2048xf32>,
    %eq3A_37 = vector.broadcast %broadcast_in_dim3A_16 : vector<1x2048xi32> to vector<8x2048xi32>
    %eq3A_38 = arith.cmpi eq, %iota3A, %eq3A_37 : vector<8x2048xi32>
    %convert_element_type3A = arith.extui %eq3A_38 : vector<8x2048xi1> to vector<8x2048xi32>
    %convert_element_type3A_39 = arith.sitofp %convert_element_type3A : vector<8x2048xi32> to vector<8x2048xf32>
    %eq3A_40 = vector.broadcast %broadcast_in_dim3A_32 : vector<1x2048xi32> to vector<8x2048xi32>
    %eq3A_41 = arith.cmpi eq, %iota3A, %eq3A_40 : vector<8x2048xi32>
    %convert_element_type3A_42 = arith.extui %eq3A_41 : vector<8x2048xi1> to vector<8x2048xi32>
    %convert_element_type3A_43 = arith.sitofp %convert_element_type3A_42 : vector<8x2048xi32> to vector<8x2048xf32>
    %add3A_44 = arith.addf %convert_element_type3A_39, %convert_element_type3A_43 : vector<8x2048xf32>
    %reshape3A = vector.shape_cast %add3A_44 : vector<8x2048xf32> to vector<128x128xf32>
    %iota3A_45 = tpu.iota {dimensions = array<i32: 0>} : vector<128x128xi32>
    %iota3A_46 = tpu.iota {dimensions = array<i32: 1>} : vector<128x128xi32>
    %lt3A = arith.cmpi slt, %iota3A_45, %iota3A_46 : vector<128x128xi32>
    %convert_element_type3A_47 = arith.extui %lt3A : vector<128x128xi1> to vector<128x128xi32>
    %convert_element_type3A_48 = arith.sitofp %convert_element_type3A_47 : vector<128x128xi32> to vector<128x128xf32>
    %convert_element_type3A_49 = arith.truncf %convert_element_type3A_48 : vector<128x128xf32> to vector<128x128xbf16>
    %convert_element_type3A_50 = arith.truncf %reshape3A : vector<128x128xf32> to vector<128x128xbf16>
    %dot_general3A_51 = arith.constant dense<0.000000e+00> : vector<128x128xf32>
    %dot_general3A_52 = tpu.matmul %convert_element_type3A_50, %convert_element_type3A_49, %dot_general3A_51 {dimension_numbers = #tpu.dot_dimension_numbers<[1], [0], [0], [1], [0, 0, 1, 1], [], []>, transpose_lhs_hint = false} : vector<128x128xbf16>, vector<128x128xbf16>, vector<128x128xf32> -> vector<128x128xf32>
    %reduce_sum3A = arith.constant dense<0.000000e+00> : vector<128xf32>
    %reduce_sum3A_53 = vector.multi_reduction <add>, %reshape3A, %reduce_sum3A [1] : vector<128x128xf32> to vector<128xf32>
    %broadcast_in_dim3A_54 = vector.shape_cast %reduce_sum3A_53 : vector<128xf32> to vector<128x1xf32>
    %jit3A_55 = arith.constant 16 : i32
    %div3A_56 = vector.broadcast %jit3A_55 : i32 to vector<128x128xi32>
    %div3A_57 = arith.divsi %iota3A_45, %div3A_56 : vector<128x128xi32>
    %sign3A = arith.constant 0 : i32
    %sign3A_58 = vector.broadcast %sign3A : i32 to vector<128x128xi32>
    %sign3A_59 = arith.cmpi sgt, %iota3A_45, %sign3A_58 : vector<128x128xi32>
    %sign3A_60 = arith.extui %sign3A_59 : vector<128x128xi1> to vector<128x128xi32>
    %sign3A_61 = arith.constant 0 : i32
    %sign3A_62 = vector.broadcast %sign3A_61 : i32 to vector<128x128xi32>
    %sign3A_63 = arith.cmpi slt, %iota3A_45, %sign3A_62 : vector<128x128xi32>
    %sign3A_64 = arith.extui %sign3A_63 : vector<128x128xi1> to vector<128x128xi32>
    %sign3A_65 = arith.subi %sign3A_60, %sign3A_64 : vector<128x128xi32>
    %sign3A_66 = arith.constant 0 : i32
    %sign3A_67 = arith.cmpi sgt, %jit3A_55, %sign3A_66 : i32
    %sign3A_68 = arith.extui %sign3A_67 : i1 to i32
    %sign3A_69 = arith.constant 0 : i32
    %sign3A_70 = arith.cmpi slt, %jit3A_55, %sign3A_69 : i32
    %sign3A_71 = arith.extui %sign3A_70 : i1 to i32
    %sign3A_72 = arith.subi %sign3A_68, %sign3A_71 : i32
    %ne3A = vector.broadcast %sign3A_72 : i32 to vector<128x128xi32>
    %ne3A_73 = arith.cmpi ne, %sign3A_65, %ne3A : vector<128x128xi32>
    %rem3A = vector.broadcast %jit3A_55 : i32 to vector<128x128xi32>
    %rem3A_74 = arith.remsi %iota3A_45, %rem3A : vector<128x128xi32>
    %ne3A_75 = arith.constant 0 : i32
    %ne3A_76 = vector.broadcast %ne3A_75 : i32 to vector<128x128xi32>
    %ne3A_77 = arith.cmpi ne, %rem3A_74, %ne3A_76 : vector<128x128xi32>
    %and3A = arith.andi %ne3A_73, %ne3A_77 : vector<128x128xi1>
    %sub3A_78 = arith.constant 1 : i32
    %sub3A_79 = vector.broadcast %sub3A_78 : i32 to vector<128x128xi32>
    %sub3A_80 = arith.subi %div3A_57, %sub3A_79 : vector<128x128xi32>
    %select_n3A_81 = arith.select %and3A, %sub3A_80, %div3A_57 : vector<128x128xi1>, vector<128x128xi32>
    %jit3A_82 = arith.constant 16 : i32
    %div3A_83 = vector.broadcast %jit3A_82 : i32 to vector<128x128xi32>
    %div3A_84 = arith.divsi %iota3A_46, %div3A_83 : vector<128x128xi32>
    %sign3A_85 = arith.constant 0 : i32
    %sign3A_86 = vector.broadcast %sign3A_85 : i32 to vector<128x128xi32>
    %sign3A_87 = arith.cmpi sgt, %iota3A_46, %sign3A_86 : vector<128x128xi32>
    %sign3A_88 = arith.extui %sign3A_87 : vector<128x128xi1> to vector<128x128xi32>
    %sign3A_89 = arith.constant 0 : i32
    %sign3A_90 = vector.broadcast %sign3A_89 : i32 to vector<128x128xi32>
    %sign3A_91 = arith.cmpi slt, %iota3A_46, %sign3A_90 : vector<128x128xi32>
    %sign3A_92 = arith.extui %sign3A_91 : vector<128x128xi1> to vector<128x128xi32>
    %sign3A_93 = arith.subi %sign3A_88, %sign3A_92 : vector<128x128xi32>
    %sign3A_94 = arith.constant 0 : i32
    %sign3A_95 = arith.cmpi sgt, %jit3A_82, %sign3A_94 : i32
    %sign3A_96 = arith.extui %sign3A_95 : i1 to i32
    %sign3A_97 = arith.constant 0 : i32
    %sign3A_98 = arith.cmpi slt, %jit3A_82, %sign3A_97 : i32
    %sign3A_99 = arith.extui %sign3A_98 : i1 to i32
    %sign3A_100 = arith.subi %sign3A_96, %sign3A_99 : i32
    %ne3A_101 = vector.broadcast %sign3A_100 : i32 to vector<128x128xi32>
    %ne3A_102 = arith.cmpi ne, %sign3A_93, %ne3A_101 : vector<128x128xi32>
    %rem3A_103 = vector.broadcast %jit3A_82 : i32 to vector<128x128xi32>
    %rem3A_104 = arith.remsi %iota3A_46, %rem3A_103 : vector<128x128xi32>
    %ne3A_105 = arith.constant 0 : i32
    %ne3A_106 = vector.broadcast %ne3A_105 : i32 to vector<128x128xi32>
    %ne3A_107 = arith.cmpi ne, %rem3A_104, %ne3A_106 : vector<128x128xi32>
    %and3A_108 = arith.andi %ne3A_102, %ne3A_107 : vector<128x128xi1>
    %sub3A_109 = arith.constant 1 : i32
    %sub3A_110 = vector.broadcast %sub3A_109 : i32 to vector<128x128xi32>
    %sub3A_111 = arith.subi %div3A_84, %sub3A_110 : vector<128x128xi32>
    %select_n3A_112 = arith.select %and3A_108, %sub3A_111, %div3A_84 : vector<128x128xi1>, vector<128x128xi32>
    %eq3A_113 = arith.cmpi eq, %select_n3A_81, %select_n3A_112 : vector<128x128xi32>
    %jit3A_114 = arith.constant 16 : i32
    %eq3A_115 = arith.constant 0 : i32
    %eq3A_116 = arith.cmpi eq, %jit3A_114, %eq3A_115 : i32
    %jit3A_117 = arith.constant 1 : i32
    %select_n3A_118 = arith.select %eq3A_116, %jit3A_117, %jit3A_114 : i32
    %rem3A_119 = vector.broadcast %select_n3A_118 : i32 to vector<128x128xi32>
    %rem3A_120 = arith.remsi %iota3A_46, %rem3A_119 : vector<128x128xi32>
    %ne3A_121 = arith.constant 0 : i32
    %ne3A_122 = vector.broadcast %ne3A_121 : i32 to vector<128x128xi32>
    %ne3A_123 = arith.cmpi ne, %rem3A_120, %ne3A_122 : vector<128x128xi32>
    %lt3A_124 = arith.constant 0 : i32
    %lt3A_125 = vector.broadcast %lt3A_124 : i32 to vector<128x128xi32>
    %lt3A_126 = arith.cmpi slt, %rem3A_120, %lt3A_125 : vector<128x128xi32>
    %lt3A_127 = arith.constant 0 : i32
    %lt3A_128 = arith.cmpi slt, %select_n3A_118, %lt3A_127 : i32
    %ne3A_129 = vector.broadcast %lt3A_128 : i1 to vector<128x128xi1>
    %ne3A_130 = vector.broadcast %ne3A_129 : vector<128x128xi1> to vector<128x128xi1>
    %ne3A_131 = arith.xori %lt3A_126, %ne3A_130 : vector<128x128xi1>
    %and3A_132 = arith.andi %ne3A_131, %ne3A_123 : vector<128x128xi1>
    %add3A_133 = vector.broadcast %select_n3A_118 : i32 to vector<128x128xi32>
    %add3A_134 = arith.addi %rem3A_120, %add3A_133 : vector<128x128xi32>
    %select_n3A_135 = arith.select %and3A_132, %add3A_134, %rem3A_120 : vector<128x128xi1>, vector<128x128xi32>
    %jit3A_136 = arith.constant 16 : i32
    %eq3A_137 = arith.constant 0 : i32
    %eq3A_138 = arith.cmpi eq, %jit3A_136, %eq3A_137 : i32
    %jit3A_139 = arith.constant 1 : i32
    %select_n3A_140 = arith.select %eq3A_138, %jit3A_139, %jit3A_136 : i32
    %rem3A_141 = vector.broadcast %select_n3A_140 : i32 to vector<128x128xi32>
    %rem3A_142 = arith.remsi %iota3A_45, %rem3A_141 : vector<128x128xi32>
    %ne3A_143 = arith.constant 0 : i32
    %ne3A_144 = vector.broadcast %ne3A_143 : i32 to vector<128x128xi32>
    %ne3A_145 = arith.cmpi ne, %rem3A_142, %ne3A_144 : vector<128x128xi32>
    %lt3A_146 = arith.constant 0 : i32
    %lt3A_147 = vector.broadcast %lt3A_146 : i32 to vector<128x128xi32>
    %lt3A_148 = arith.cmpi slt, %rem3A_142, %lt3A_147 : vector<128x128xi32>
    %lt3A_149 = arith.constant 0 : i32
    %lt3A_150 = arith.cmpi slt, %select_n3A_140, %lt3A_149 : i32
    %ne3A_151 = vector.broadcast %lt3A_150 : i1 to vector<128x128xi1>
    %ne3A_152 = vector.broadcast %ne3A_151 : vector<128x128xi1> to vector<128x128xi1>
    %ne3A_153 = arith.xori %lt3A_148, %ne3A_152 : vector<128x128xi1>
    %and3A_154 = arith.andi %ne3A_153, %ne3A_145 : vector<128x128xi1>
    %add3A_155 = vector.broadcast %select_n3A_140 : i32 to vector<128x128xi32>
    %add3A_156 = arith.addi %rem3A_142, %add3A_155 : vector<128x128xi32>
    %select_n3A_157 = arith.select %and3A_154, %add3A_156, %rem3A_142 : vector<128x128xi1>, vector<128x128xi32>
    %lt3A_158 = arith.cmpi slt, %select_n3A_135, %select_n3A_157 : vector<128x128xi32>
    %and3A_159 = arith.andi %eq3A_113, %lt3A_158 : vector<128x128xi1>
    %convert_element_type3A_160 = arith.extui %and3A_159 : vector<128x128xi1> to vector<128x128xi32>
    %convert_element_type3A_161 = arith.sitofp %convert_element_type3A_160 : vector<128x128xi32> to vector<128x128xf32>
    %convert_element_type3A_162 = arith.truncf %convert_element_type3A_161 : vector<128x128xf32> to vector<128x128xbf16>
    %convert_element_type3A_163 = arith.truncf %broadcast_in_dim3A_54 : vector<128x1xf32> to vector<128x1xbf16>
    %dot_general3A_164 = arith.constant dense<0.000000e+00> : vector<128x1xf32>
    %dot_general3A_165 = tpu.matmul %convert_element_type3A_162, %convert_element_type3A_163, %dot_general3A_164 {dimension_numbers = #tpu.dot_dimension_numbers<[1], [0], [0], [1], [0, 0, 1, 1], [], []>, transpose_lhs_hint = false} : vector<128x128xbf16>, vector<128x1xbf16>, vector<128x1xf32> -> vector<128x1xf32>
    %add3A_166 = vector.broadcast %dot_general3A_165 : vector<128x1xf32> to vector<128x128xf32>
    %add3A_167 = arith.addf %dot_general3A_52, %add3A_166 : vector<128x128xf32>
    %reshape3A_168 = vector.shape_cast %add3A_167 : vector<128x128xf32> to vector<8x2048xf32>
    %reduce_sum3A_169 = arith.constant dense<0.000000e+00> : vector<128xf32>
    %reduce_sum3A_170 = vector.multi_reduction <add>, %reshape3A, %reduce_sum3A_169 [1] : vector<128x128xf32> to vector<128xf32>
    %broadcast_in_dim3A_171 = vector.shape_cast %reduce_sum3A_170 : vector<128xf32> to vector<128x1xf32>
    %reshape3A_172 = vector.shape_cast %broadcast_in_dim3A_171 : vector<128x1xf32> to vector<8x16xf32>
    %reduce_sum3A_173 = arith.constant dense<0.000000e+00> : vector<8xf32>
    %reduce_sum3A_174 = vector.multi_reduction <add>, %reshape3A_172, %reduce_sum3A_173 [1] : vector<8x16xf32> to vector<8xf32>
    %broadcast_in_dim3A_175 = vector.shape_cast %reduce_sum3A_174 : vector<8xf32> to vector<8x1xf32>
    %add3A_176 = arith.constant 2.550000e+02 : f32
    %add3A_177 = vector.broadcast %add3A_176 : f32 to vector<8x1xf32>
    %add3A_178 = arith.addf %broadcast_in_dim3A_175, %add3A_177 : vector<8x1xf32>
    %mul3A = arith.constant 3.906250e-03 : f32
    %mul3A_179 = vector.broadcast %mul3A : f32 to vector<8x1xf32>
    %mul3A_180 = arith.mulf %add3A_178, %mul3A_179 : vector<8x1xf32>
    %convert_element_type3A_181 = arith.fptosi %mul3A_180 : vector<8x1xf32> to vector<8x1xi32>
    %convert_element_type3A_182 = arith.sitofp %convert_element_type3A_181 : vector<8x1xi32> to vector<8x1xf32>
    %iota3A_183 = tpu.iota {dimensions = array<i32: 0>} : vector<8x8xi32>
    %iota3A_184 = tpu.iota {dimensions = array<i32: 1>} : vector<8x8xi32>
    %lt3A_185 = arith.cmpi slt, %iota3A_184, %iota3A_183 : vector<8x8xi32>
    %convert_element_type3A_186 = arith.extui %lt3A_185 : vector<8x8xi1> to vector<8x8xi32>
    %convert_element_type3A_187 = arith.sitofp %convert_element_type3A_186 : vector<8x8xi32> to vector<8x8xf32>
    %convert_element_type3A_188 = arith.truncf %convert_element_type3A_187 : vector<8x8xf32> to vector<8x8xbf16>
    %convert_element_type3A_189 = arith.truncf %convert_element_type3A_182 : vector<8x1xf32> to vector<8x1xbf16>
    %dot_general3A_190 = arith.constant dense<0.000000e+00> : vector<8x1xf32>
    %dot_general3A_191 = tpu.matmul %convert_element_type3A_188, %convert_element_type3A_189, %dot_general3A_190 {dimension_numbers = #tpu.dot_dimension_numbers<[1], [0], [0], [1], [0, 0, 1, 1], [], []>, transpose_lhs_hint = false} : vector<8x8xbf16>, vector<8x1xbf16>, vector<8x1xf32> -> vector<8x1xf32>
    %mul3A_192 = arith.constant 2.560000e+02 : f32
    %mul3A_193 = vector.broadcast %mul3A_192 : f32 to vector<8x1xf32>
    %mul3A_194 = arith.mulf %dot_general3A_191, %mul3A_193 : vector<8x1xf32>
    %broadcast_in_dim3A_195 = vector.shape_cast %mul3A_194 : vector<8x1xf32> to vector<8x1xf32>
    %broadcast_in_dim3A_196 = vector.broadcast %broadcast_in_dim3A_195 : vector<8x1xf32> to vector<8x2048xf32>
    %eq3A_197 = vector.broadcast %broadcast_in_dim3A_16 : vector<1x2048xi32> to vector<8x2048xi32>
    %eq3A_198 = arith.cmpi eq, %iota3A, %eq3A_197 : vector<8x2048xi32>
    %add3A_199 = arith.addf %reshape3A_168, %broadcast_in_dim3A_196 : vector<8x2048xf32>
    %jit3A_200 = arith.constant 0.000000e+00 : f32
    %broadcast_in_dim3A_201 = vector.broadcast %jit3A_200 : f32 to vector<8x2048xf32>
    %select_n3A_202 = arith.select %eq3A_198, %add3A_199, %broadcast_in_dim3A_201 : vector<8x2048xi1>, vector<8x2048xf32>
    %reduce_sum3A_203 = arith.constant dense<0.000000e+00> : vector<2048xf32>
    %reduce_sum3A_204 = vector.multi_reduction <add>, %select_n3A_202, %reduce_sum3A_203 [0] : vector<8x2048xf32> to vector<2048xf32>
    %broadcast_in_dim3A_205 = vector.shape_cast %reduce_sum3A_204 : vector<2048xf32> to vector<1x2048xf32>
    %eq3A_206 = vector.broadcast %broadcast_in_dim3A_32 : vector<1x2048xi32> to vector<8x2048xi32>
    %eq3A_207 = arith.cmpi eq, %iota3A, %eq3A_206 : vector<8x2048xi32>
    %add3A_208 = arith.addf %reshape3A_168, %broadcast_in_dim3A_196 : vector<8x2048xf32>
    %jit3A_209 = arith.constant 0.000000e+00 : f32
    %broadcast_in_dim3A_210 = vector.broadcast %jit3A_209 : f32 to vector<8x2048xf32>
    %select_n3A_211 = arith.select %eq3A_207, %add3A_208, %broadcast_in_dim3A_210 : vector<8x2048xi1>, vector<8x2048xf32>
    %reduce_sum3A_212 = arith.constant dense<0.000000e+00> : vector<2048xf32>
    %reduce_sum3A_213 = vector.multi_reduction <add>, %select_n3A_211, %reduce_sum3A_212 [0] : vector<8x2048xf32> to vector<2048xf32>
    %broadcast_in_dim3A_214 = vector.shape_cast %reduce_sum3A_213 : vector<2048xf32> to vector<1x2048xf32>
    %convert_element_type3A_215 = arith.fptosi %broadcast_in_dim3A_205 : vector<1x2048xf32> to vector<1x2048xi32>
    %reshape3A_216 = vector.shape_cast %convert_element_type3A_215 : vector<1x2048xi32> to vector<2048xi32>
    %swap3A_217 = arith.constant 0 : index
    %swap3A_218 = vector.load %arg4[%swap3A_217] : memref<2048xi32, #tpu.memory_space<vmem>>, vector<2048xi32>
    tpu.vector_store %arg4[%swap3A_217], %reshape3A_216 {strides = array<i32>} : memref<2048xi32, #tpu.memory_space<vmem>>, vector<2048xi32>,
    %convert_element_type3A_219 = arith.fptosi %broadcast_in_dim3A_214 : vector<1x2048xf32> to vector<1x2048xi32>
    %reshape3A_220 = vector.shape_cast %convert_element_type3A_219 : vector<1x2048xi32> to vector<2048xi32>
    %swap3A_221 = arith.constant 0 : index
    %swap3A_222 = vector.load %arg5[%swap3A_221] : memref<2048xi32, #tpu.memory_space<vmem>>, vector<2048xi32>
    tpu.vector_store %arg5[%swap3A_221], %reshape3A_220 {strides = array<i32>} : memref<2048xi32, #tpu.memory_space<vmem>>, vector<2048xi32>,
    %add3A_223 = arith.addf %dot_general3A_191, %convert_element_type3A_182 : vector<8x1xf32>
    %iota3A_224 = tpu.iota {dimensions = array<i32: 1>} : vector<8x24xi32>
    %convert_element_type3A_225 = arith.sitofp %iota3A_224 : vector<8x24xi32> to vector<8x24xf32>
    %broadcast_in_dim3A_226 = vector.shape_cast %add3A_223 : vector<8x1xf32> to vector<8x1xf32>
    %broadcast_in_dim3A_227 = vector.broadcast %broadcast_in_dim3A_226 : vector<8x1xf32> to vector<8x24xf32>
    %le3A = arith.cmpf ole, %broadcast_in_dim3A_227, %convert_element_type3A_225 : vector<8x24xf32>
    %convert_element_type3A_228 = arith.extui %le3A : vector<8x24xi1> to vector<8x24xi32>
    %convert_element_type3A_229 = arith.sitofp %convert_element_type3A_228 : vector<8x24xi32> to vector<8x24xf32>
    %reduce_sum3A_230 = arith.constant dense<0.000000e+00> : vector<24xf32>
    %reduce_sum3A_231 = vector.multi_reduction <add>, %convert_element_type3A_229, %reduce_sum3A_230 [0] : vector<8x24xf32> to vector<24xf32>
    %broadcast_in_dim3A_232 = vector.shape_cast %reduce_sum3A_231 : vector<24xf32> to vector<1x24xf32>
    %min3A = arith.constant 7.000000e+00 : f32
    %min3A_233 = vector.broadcast %min3A : f32 to vector<1x24xf32>
    %min3A_234 = arith.minimumf %broadcast_in_dim3A_232, %min3A_233 : vector<1x24xf32>
    %reduce_sum3A_235 = arith.constant dense<0.000000e+00> : vector<1xf32>
    %reduce_sum3A_236 = vector.multi_reduction <add>, %convert_element_type3A_182, %reduce_sum3A_235 [0] : vector<8x1xf32> to vector<1xf32>
    %broadcast_in_dim3A_237 = vector.shape_cast %reduce_sum3A_236 : vector<1xf32> to vector<1x1xf32>
    %concatenate3A_238 = tpu.concatenate %min3A_234, %broadcast_in_dim3A_237 in 1 : vector<1x24xf32>, vector<1x1xf32> -> vector<1x25xf32>
    %convert_element_type3A_239 = arith.fptosi %concatenate3A_238 : vector<1x25xf32> to vector<1x25xi32>
    %swap3A_240 = arith.constant 0 : index
    %swap3A_241 = arith.constant 0 : index
    %swap3A_242 = vector.load %arg6[%swap3A_240, %swap3A_241] : memref<1x25xi32, #tpu.memory_space<vmem>>, vector<1x25xi32>
    tpu.vector_store %arg6[%swap3A_240, %swap3A_241], %convert_element_type3A_239 {strides = array<i32>} : memref<1x25xi32, #tpu.memory_space<vmem>>, vector<1x25xi32>,
    return
  }
}

module attributes {stable_mosaic.version = 14 : i64} {
  func.func @_grouped_body(%arg0: i32, %arg1: memref<25xi32, #tpu.memory_space<smem>>, %arg2: memref<256x1024xf32, #tpu.memory_space<vmem>>, %arg3: memref<1x1024x256xf32, #tpu.memory_space<vmem>>, %arg4: memref<1x1024x256xf32, #tpu.memory_space<vmem>>, %arg5: memref<1x256x1024xf32, #tpu.memory_space<vmem>>, %arg6: memref<256x1024xf32, #tpu.memory_space<vmem>>) attributes {dimension_semantics = [#tpu.dimension_semantics<arbitrary>], iteration_bounds = array<i64: 24>, scalar_prefetch = 1 : i64, scratch_operands = 0 : i64, tpu.core_type = #tpu.core_type<tc>, window_params = [{transform_indices = @transform_0, window_bounds = array<i64: 256, 1024>}, {transform_indices = @transform_1, window_bounds = array<i64: 1, 1024, 256>}, {transform_indices = @transform_2, window_bounds = array<i64: 1, 1024, 256>}, {transform_indices = @transform_3, window_bounds = array<i64: 1, 256, 1024>}, {transform_indices = @transform_4, window_bounds = array<i64: 256, 1024>}]} {
    %get3A = arith.constant 24 : index
    %get3A_0 = memref.load %arg1[%get3A] : memref<25xi32, #tpu.memory_space<smem>>
    %lt3A = arith.cmpi slt, %arg0, %get3A_0 : i32
    %convert_element_type3A = arith.extui %lt3A : i1 to i32
    %cond3A = arith.constant 0 : i32
    %cond3A_1 = arith.cmpi ne, %convert_element_type3A, %cond3A : i32
    scf.if %cond3A_1 {
      %get3A_2 = arith.constant 0 : index
      %get3A_3 = arith.constant 0 : index
      %get3A_4 = vector.load %arg2[%get3A_2, %get3A_3] : memref<256x1024xf32, #tpu.memory_space<vmem>>, vector<256x1024xf32>
      %get3A_5 = arith.constant 0 : index
      %get3A_6 = arith.constant 0 : index
      %get3A_7 = arith.constant 0 : index
      %get3A_8 = vector.load %arg3[%get3A_5, %get3A_6, %get3A_7] : memref<1x1024x256xf32, #tpu.memory_space<vmem>>, vector<1x1024x256xf32>
      %get3A_9 = vector.shape_cast %get3A_8 : vector<1x1024x256xf32> to vector<1024x256xf32>
      %dot_general3A = arith.constant dense<0.000000e+00> : vector<256x256xf32>
      %dot_general3A_10 = tpu.matmul %get3A_4, %get3A_9, %dot_general3A {dimension_numbers = #tpu.dot_dimension_numbers<[1], [0], [0], [1], [0, 0, 1, 1], [], []>, transpose_lhs_hint = false} : vector<256x1024xf32>, vector<1024x256xf32>, vector<256x256xf32> -> vector<256x256xf32>
      %get3A_11 = arith.constant 0 : index
      %get3A_12 = arith.constant 0 : index
      %get3A_13 = arith.constant 0 : index
      %get3A_14 = vector.load %arg4[%get3A_11, %get3A_12, %get3A_13] : memref<1x1024x256xf32, #tpu.memory_space<vmem>>, vector<1x1024x256xf32>
      %get3A_15 = vector.shape_cast %get3A_14 : vector<1x1024x256xf32> to vector<1024x256xf32>
      %dot_general3A_16 = arith.constant dense<0.000000e+00> : vector<256x256xf32>
      %dot_general3A_17 = tpu.matmul %get3A_4, %get3A_15, %dot_general3A_16 {dimension_numbers = #tpu.dot_dimension_numbers<[1], [0], [0], [1], [0, 0, 1, 1], [], []>, transpose_lhs_hint = false} : vector<256x1024xf32>, vector<1024x256xf32>, vector<256x256xf32> -> vector<256x256xf32>
      %neg3A = arith.constant 0.000000e+00 : f32
      %neg3A_18 = vector.broadcast %neg3A : f32 to vector<256x256xf32>
      %neg3A_19 = arith.subf %neg3A_18, %dot_general3A_10 : vector<256x256xf32>
      %exp3A = math.exp %neg3A_19 : vector<256x256xf32>
      %add3A = arith.constant 1.000000e+00 : f32
      %add3A_20 = vector.broadcast %add3A : f32 to vector<256x256xf32>
      %add3A_21 = arith.addf %add3A_20, %exp3A : vector<256x256xf32>
      %div3A = arith.constant 1.000000e+00 : f32
      %div3A_22 = vector.broadcast %div3A : f32 to vector<256x256xf32>
      %div3A_23 = arith.divf %div3A_22, %add3A_21 : vector<256x256xf32>
      %mul3A = arith.mulf %dot_general3A_10, %div3A_23 : vector<256x256xf32>
      %mul3A_24 = arith.mulf %mul3A, %dot_general3A_17 : vector<256x256xf32>
      %get3A_25 = arith.constant 0 : index
      %get3A_26 = arith.constant 0 : index
      %get3A_27 = arith.constant 0 : index
      %get3A_28 = vector.load %arg5[%get3A_25, %get3A_26, %get3A_27] : memref<1x256x1024xf32, #tpu.memory_space<vmem>>, vector<1x256x1024xf32>
      %get3A_29 = vector.shape_cast %get3A_28 : vector<1x256x1024xf32> to vector<256x1024xf32>
      %dot_general3A_30 = arith.constant dense<0.000000e+00> : vector<256x1024xf32>
      %dot_general3A_31 = tpu.matmul %mul3A_24, %get3A_29, %dot_general3A_30 {dimension_numbers = #tpu.dot_dimension_numbers<[1], [0], [0], [1], [0, 0, 1, 1], [], []>, transpose_lhs_hint = false} : vector<256x256xf32>, vector<256x1024xf32>, vector<256x1024xf32> -> vector<256x1024xf32>
      %swap3A = arith.constant 0 : index
      %swap3A_32 = arith.constant 0 : index
      %swap3A_33 = vector.load %arg6[%swap3A, %swap3A_32] : memref<256x1024xf32, #tpu.memory_space<vmem>>, vector<256x1024xf32>
      tpu.vector_store %arg6[%swap3A, %swap3A_32], %dot_general3A_31 {strides = array<i32>} : memref<256x1024xf32, #tpu.memory_space<vmem>>, vector<256x1024xf32>,
    } else {
    }
    return
  }
  func.func @transform_0(%arg0: i32, %arg1: memref<25xi32, #tpu.memory_space<smem>>) -> (i32, i32) {
    %c0_i32 = arith.constant 0 : i32
    %c0_i32_0 = arith.constant 0 : i32
    return %arg0, %c0_i32 : i32, i32
  }
  func.func @transform_1(%arg0: i32, %arg1: memref<25xi32, #tpu.memory_space<smem>>) -> (i32, i32, i32) {
    %get3A = arith.index_cast %arg0 : i32 to index
    %get3A_0 = memref.load %arg1[%get3A] : memref<25xi32, #tpu.memory_space<smem>>
    %c0_i32 = arith.constant 0 : i32
    %c0_i32_1 = arith.constant 0 : i32
    %c0_i32_2 = arith.constant 0 : i32
    return %get3A_0, %c0_i32, %c0_i32_1 : i32, i32, i32
  }
  func.func @transform_2(%arg0: i32, %arg1: memref<25xi32, #tpu.memory_space<smem>>) -> (i32, i32, i32) {
    %get3A = arith.index_cast %arg0 : i32 to index
    %get3A_0 = memref.load %arg1[%get3A] : memref<25xi32, #tpu.memory_space<smem>>
    %c0_i32 = arith.constant 0 : i32
    %c0_i32_1 = arith.constant 0 : i32
    %c0_i32_2 = arith.constant 0 : i32
    return %get3A_0, %c0_i32, %c0_i32_1 : i32, i32, i32
  }
  func.func @transform_3(%arg0: i32, %arg1: memref<25xi32, #tpu.memory_space<smem>>) -> (i32, i32, i32) {
    %get3A = arith.index_cast %arg0 : i32 to index
    %get3A_0 = memref.load %arg1[%get3A] : memref<25xi32, #tpu.memory_space<smem>>
    %c0_i32 = arith.constant 0 : i32
    %c0_i32_1 = arith.constant 0 : i32
    %c0_i32_2 = arith.constant 0 : i32
    return %get3A_0, %c0_i32, %c0_i32_1 : i32, i32, i32
  }
  func.func @transform_4(%arg0: i32, %arg1: memref<25xi32, #tpu.memory_space<smem>>) -> (i32, i32) {
    %c0_i32 = arith.constant 0 : i32
    %c0_i32_0 = arith.constant 0 : i32
    return %arg0, %c0_i32 : i32, i32
  }
}

module attributes {stable_mosaic.version = 14 : i64} {
  func.func @_shared_body(%arg0: memref<2048x1024xf32, #tpu.memory_space<vmem>>, %arg1: memref<1024x512xf32, #tpu.memory_space<vmem>>, %arg2: memref<1024x512xf32, #tpu.memory_space<vmem>>, %arg3: memref<512x1024xf32, #tpu.memory_space<vmem>>, %arg4: memref<2048x1024xf32, #tpu.memory_space<vmem>>) attributes {dimension_semantics = [], scalar_prefetch = 0 : i64, scratch_operands = 0 : i64, tpu.core_type = #tpu.core_type<tc>} {
    %get3A = arith.constant 0 : index
    %get3A_0 = arith.constant 0 : index
    %get3A_1 = vector.load %arg0[%get3A, %get3A_0] : memref<2048x1024xf32, #tpu.memory_space<vmem>>, vector<2048x1024xf32>
    %get3A_2 = arith.constant 0 : index
    %get3A_3 = arith.constant 0 : index
    %get3A_4 = vector.load %arg1[%get3A_2, %get3A_3] : memref<1024x512xf32, #tpu.memory_space<vmem>>, vector<1024x512xf32>
    %dot_general3A = arith.constant dense<0.000000e+00> : vector<2048x512xf32>
    %dot_general3A_5 = tpu.matmul %get3A_1, %get3A_4, %dot_general3A {dimension_numbers = #tpu.dot_dimension_numbers<[1], [0], [0], [1], [0, 0, 1, 1], [], []>, transpose_lhs_hint = false} : vector<2048x1024xf32>, vector<1024x512xf32>, vector<2048x512xf32> -> vector<2048x512xf32>
    %get3A_6 = arith.constant 0 : index
    %get3A_7 = arith.constant 0 : index
    %get3A_8 = vector.load %arg2[%get3A_6, %get3A_7] : memref<1024x512xf32, #tpu.memory_space<vmem>>, vector<1024x512xf32>
    %dot_general3A_9 = arith.constant dense<0.000000e+00> : vector<2048x512xf32>
    %dot_general3A_10 = tpu.matmul %get3A_1, %get3A_8, %dot_general3A_9 {dimension_numbers = #tpu.dot_dimension_numbers<[1], [0], [0], [1], [0, 0, 1, 1], [], []>, transpose_lhs_hint = false} : vector<2048x1024xf32>, vector<1024x512xf32>, vector<2048x512xf32> -> vector<2048x512xf32>
    %neg3A = arith.constant 0.000000e+00 : f32
    %neg3A_11 = vector.broadcast %neg3A : f32 to vector<2048x512xf32>
    %neg3A_12 = arith.subf %neg3A_11, %dot_general3A_5 : vector<2048x512xf32>
    %exp3A = math.exp %neg3A_12 : vector<2048x512xf32>
    %add3A = arith.constant 1.000000e+00 : f32
    %add3A_13 = vector.broadcast %add3A : f32 to vector<2048x512xf32>
    %add3A_14 = arith.addf %add3A_13, %exp3A : vector<2048x512xf32>
    %div3A = arith.constant 1.000000e+00 : f32
    %div3A_15 = vector.broadcast %div3A : f32 to vector<2048x512xf32>
    %div3A_16 = arith.divf %div3A_15, %add3A_14 : vector<2048x512xf32>
    %mul3A = arith.mulf %dot_general3A_5, %div3A_16 : vector<2048x512xf32>
    %mul3A_17 = arith.mulf %mul3A, %dot_general3A_10 : vector<2048x512xf32>
    %get3A_18 = arith.constant 0 : index
    %get3A_19 = arith.constant 0 : index
    %get3A_20 = vector.load %arg3[%get3A_18, %get3A_19] : memref<512x1024xf32, #tpu.memory_space<vmem>>, vector<512x1024xf32>
    %dot_general3A_21 = arith.constant dense<0.000000e+00> : vector<2048x1024xf32>
    %dot_general3A_22 = tpu.matmul %mul3A_17, %get3A_20, %dot_general3A_21 {dimension_numbers = #tpu.dot_dimension_numbers<[1], [0], [0], [1], [0, 0, 1, 1], [], []>, transpose_lhs_hint = false} : vector<2048x512xf32>, vector<512x1024xf32>, vector<2048x1024xf32> -> vector<2048x1024xf32>
    %swap3A = arith.constant 0 : index
    %swap3A_23 = arith.constant 0 : index
    %swap3A_24 = vector.load %arg4[%swap3A, %swap3A_23] : memref<2048x1024xf32, #tpu.memory_space<vmem>>, vector<2048x1024xf32>
    tpu.vector_store %arg4[%swap3A, %swap3A_23], %dot_general3A_22 {strides = array<i32>} : memref<2048x1024xf32, #tpu.memory_space<vmem>>, vector<2048x1024xf32>,
    return
  }
}

module attributes {stable_mosaic.version = 14 : i64} {
  func.func @_combine_body(%arg0: i32, %arg1: memref<512x1024xf32, #tpu.memory_space<vmem>>, %arg2: memref<512x1024xf32, #tpu.memory_space<vmem>>, %arg3: memref<512x1024xf32, #tpu.memory_space<vmem>>, %arg4: memref<2x512xf32, #tpu.memory_space<vmem>>, %arg5: memref<512x1024xf32, #tpu.memory_space<vmem>>) attributes {dimension_semantics = [#tpu.dimension_semantics<arbitrary>], iteration_bounds = array<i64: 4>, scalar_prefetch = 0 : i64, scratch_operands = 0 : i64, tpu.core_type = #tpu.core_type<tc>, window_params = [{transform_indices = @transform_0, window_bounds = array<i64: 512, 1024>}, {transform_indices = @transform_1, window_bounds = array<i64: 512, 1024>}, {transform_indices = @transform_2, window_bounds = array<i64: 512, 1024>}, {transform_indices = @transform_3, window_bounds = array<i64: 2, 512>}, {transform_indices = @transform_4, window_bounds = array<i64: 512, 1024>}]} {
    %get3A = arith.constant 0 : index
    %get3A_0 = arith.constant 0 : index
    %get3A_1 = vector.load %arg4[%get3A, %get3A_0] : memref<2x512xf32, #tpu.memory_space<vmem>>, vector<2x512xf32>
    %transpose3A = tpu.transpose %get3A_1, [1, 0] : vector<2x512xf32> -> vector<512x2xf32>
    %slice3A = vector.extract_strided_slice %transpose3A {offsets = [0, 0], sizes = [512, 1], strides = [1, 1]} : vector<512x2xf32> to vector<512x1xf32>
    %slice3A_2 = vector.extract_strided_slice %transpose3A {offsets = [0, 1], sizes = [512, 1], strides = [1, 1]} : vector<512x2xf32> to vector<512x1xf32>
    %get3A_3 = arith.constant 0 : index
    %get3A_4 = arith.constant 0 : index
    %get3A_5 = vector.load %arg1[%get3A_3, %get3A_4] : memref<512x1024xf32, #tpu.memory_space<vmem>>, vector<512x1024xf32>
    %get3A_6 = arith.constant 0 : index
    %get3A_7 = arith.constant 0 : index
    %get3A_8 = vector.load %arg2[%get3A_6, %get3A_7] : memref<512x1024xf32, #tpu.memory_space<vmem>>, vector<512x1024xf32>
    %mul3A = vector.broadcast %slice3A : vector<512x1xf32> to vector<512x1024xf32>
    %mul3A_9 = arith.mulf %mul3A, %get3A_8 : vector<512x1024xf32>
    %add3A = arith.addf %get3A_5, %mul3A_9 : vector<512x1024xf32>
    %get3A_10 = arith.constant 0 : index
    %get3A_11 = arith.constant 0 : index
    %get3A_12 = vector.load %arg3[%get3A_10, %get3A_11] : memref<512x1024xf32, #tpu.memory_space<vmem>>, vector<512x1024xf32>
    %mul3A_13 = vector.broadcast %slice3A_2 : vector<512x1xf32> to vector<512x1024xf32>
    %mul3A_14 = arith.mulf %mul3A_13, %get3A_12 : vector<512x1024xf32>
    %add3A_15 = arith.addf %add3A, %mul3A_14 : vector<512x1024xf32>
    %swap3A = arith.constant 0 : index
    %swap3A_16 = arith.constant 0 : index
    %swap3A_17 = vector.load %arg5[%swap3A, %swap3A_16] : memref<512x1024xf32, #tpu.memory_space<vmem>>, vector<512x1024xf32>
    tpu.vector_store %arg5[%swap3A, %swap3A_16], %add3A_15 {strides = array<i32>} : memref<512x1024xf32, #tpu.memory_space<vmem>>, vector<512x1024xf32>,
    return
  }
  func.func @transform_0(%arg0: i32) -> (i32, i32) {
    %c0_i32 = arith.constant 0 : i32
    %c0_i32_0 = arith.constant 0 : i32
    return %arg0, %c0_i32 : i32, i32
  }
  func.func @transform_1(%arg0: i32) -> (i32, i32) {
    %c0_i32 = arith.constant 0 : i32
    %c0_i32_0 = arith.constant 0 : i32
    return %arg0, %c0_i32 : i32, i32
  }
  func.func @transform_2(%arg0: i32) -> (i32, i32) {
    %c0_i32 = arith.constant 0 : i32
    %c0_i32_0 = arith.constant 0 : i32
    return %arg0, %c0_i32 : i32, i32
  }
  func.func @transform_3(%arg0: i32) -> (i32, i32) {
    %c0_i32 = arith.constant 0 : i32
    %c0_i32_0 = arith.constant 0 : i32
    return %c0_i32, %arg0 : i32, i32
  }
  func.func @transform_4(%arg0: i32) -> (i32, i32) {
    %c0_i32 = arith.constant 0 : i32
    %c0_i32_0 = arith.constant 0 : i32
    return %arg0, %c0_i32 : i32, i32
  }
}

</mosaic_0001>

<sc_bundles>
// kernel: kernel.11.cloned.1.call-start
scs
__scs_entry_jumppad:
0x0: {  	(pc) =	sbr.rel $0x88, $3  }
0x1: {  	(tag) =	ssettag $0x0;
	lr =	simm.s32 $0x1  }
0x2: {  	[smem:$0x3F99] =	sst lr;
	_ =	strace $0xD0000000  }
0x3: {  	_ = 	snop  }
0x4: {  	_ = 	snop  }
0x5: {  	_ = 	snop  }
0x6: {  	_ = 	snop  }
0x7: {  	_ = 	snop  }
__scs_overlays_trampoline_lowered:
0x8: {  	[smem:$0x3FA8] =	sst s0  }
0x9: {  	[smem:$0x3FA9] =	sst s1  }
0xa: {  	[smem:$0x3FAA] =	sst s2  }
0xb: {  	[smem:$0x3FAB] =	sst s3  }
0xc: {  	[smem:$0x3FAC] =	sst s4  }
0xd: {  	[smem:$0x3FAD] =	sst s5  }
0xe: {  	[smem:$0x3FAE] =	sst s6  }
0xf: {  	[smem:$0x3FAF] =	sst s7  }
0x10: {  	[smem:$0x3FB0] =	sst s8  }
0x11: {  	[smem:$0x3FB1] =	sst s9;
	s0 =	simm.s32 @!p0 $0x0  }
0x12: {  	s1 =	sld [smem:$0x3F97];
	s0 =	simm.s32 @p0 $0x1  }
0x13: {  	[smem:$0x3FB2] =	sst s0;
	s0 =	simm.s32 @!p1 $0x0  }
0x14: {  	s2 =	sld [smem:$0x3F96];
	s0 =	simm.s32 @p1 $0x1  }
0x15: {  	[smem:$0x3FB3] =	sst s0;
	s0 =	simm.s32 @!p2 $0x0  }
0x16: {  	s3 =	sld [smem:$0x3FDB];
	s0 =	simm.s32 @p2 $0x1  }
0x17: {  	s4 =	simm.s32 $0x1BF5;
	[smem:$0x3FB5] =	sst s0  }
0x18: {  	s0 =	sld [smem:$0x3F98];
	_ =	swait.ge [sflag:s4], $0x0  }
0x19: {  	s7 =	sld [smem:$0x3F99]  }
0x1a: {  	s8 =	sadd.s32 $0xFFFFE003, lr  }
0x1b: {  	s9 =	sadd.s32 $0xFFFFFEF7, lr;
	s5 =	simm.s32 $0xFFFFFFFF;
	p2 =	slt.u32 s8, $0xFFFFF086  }
0x1c: {  	p1 =	slt.u32 s9, $0xF7A;
	s5 =	simm.s32 @!p2 $0x0  }
0x1d: {  	s5 =	simm.s32 @p1 $0x1;
	p0 =	seq.s32 s7, s2  }
0x1e: {  	s7 =	smul.u32 @!p0 $0xF7A, s2;
	p2 =	seq.s32 @!p0 s5, $0x0  }
0x1f: {  	s9 =	smul.u32 $0xF7A, s1;
	s8 =	simm.s32 @!p0 $0x1BF5;
	p2 =	por !p2, p0  }
0x20: {  	[sflag:s8] =	ssyncset.s32 @!p0 $0xFFFFF086;
	s6 =	sadd.s32 @!p0 s3, s7;
	s7 =	simm.s32 @!p0 $0x108  }
0x21: {  	s3 =	sadd.s32 s3, s9;
	s6 =	sadd.s32 @!p0 $0x88, s6;
	s7 =	simm.s32 @p2 $0x1082  }
0x22: {  	[simem:s7], [sflag:s8] =	dma.local @!p0 [hbm:s6], $0xF7A  }
0x23: {  	s9 =	sor.u32 $0xD0000000, s2;
	s6 =	simm.s32 $0x108;
	_ =	swait.ge @!p0 [sflag:s8], $0x0  }
0x24: {  	s3 =	sadd.s32 $0x88, s3;
	s6 =	simm.s32 @!p1 $0x1082;
	[sflag:s4] =	ssyncset.s32 $0xFFFFF086  }
0x25: {  	[simem:s6], [sflag:s4] =	dma.local [hbm:s3], $0xF7A  }
0x26: {  	[smem:$0x3F99] =	sst s1;
	(tag) =	ssettag s2;
	_ =	strace s9  }
0x27: {  	s1 =	sld [smem:$0x3FA9]  }
0x28: {  	s2 =	sld [smem:$0x3FAA]  }
0x29: {  	s4 =	sld [smem:$0x3FAC]  }
0x2a: {  	p0 =	seq.s32 s5, $0x0;
	s5 =	sld [smem:$0x3FAD]  }
0x2b: {  	s6 =	sld [smem:$0x3FAE]  }
0x2c: {  	s7 =	sld [smem:$0x3FAF]  }
0x2d: {  	s3 =	simm.s32 $0x108;
	s8 =	sld [smem:$0x3FB0]  }
0x2e: {  	s3 =	simm.s32 @!p0 $0x1082;
	s9 =	sld [smem:$0x3FB1]  }
0x2f: {  	lr =	sadd.s32 s0, s3;
	s0 =	sld [smem:$0x3FA8]  }
0x30: {  	s3 =	sld [smem:$0x3FAB]  }
0x31: {  	[smem:$0x3FB4] =	sst s10  }
0x32: {  	s10 =	sld [smem:$0x3FB2];
	_ =	sdelay $0x3  }
0x33: {  	p0 =	seq.s32 s10, $0x1;
	s10 =	sld [smem:$0x3FB4];
	_ =	sdelay $0x3  }
0x34: {  	[smem:$0x3FB4] =	sst s10  }
0x35: {  	s10 =	sld [smem:$0x3FB3];
	_ =	sdelay $0x3  }
0x36: {  	p1 =	seq.s32 s10, $0x1;
	s10 =	sld [smem:$0x3FB4];
	_ =	sdelay $0x3  }
0x37: {  	[smem:$0x3FB4] =	sst s10  }
0x38: {  	s10 =	sld [smem:$0x3FB5]  }
0x39: {  	_ = 	snop;
	(pc) =	sbr.ind lr, $3  }
0x3a: {  	_ = 	snop  }
0x3b: {  	_ = 	snop  }
0x3c: {  	p2 =	seq.s32 s10, $0x1;
	s10 =	sld [smem:$0x3FB4]  }
0x3d: {  	_ =	shalt  }
0x3e: {  	_ =	shalt  }
0x3f: {  	_ =	shalt  }
0x40: {  	_ =	shalt  }
0x41: {  	_ =	shalt  }
0x42: {  	_ =	shalt  }
0x43: {  	_ =	shalt  }
0x44: {  	_ =	shalt  }
0x45: {  	_ =	shalt  }
0x46: {  	_ =	shalt  }
0x47: {  	_ =	shalt  }
0x48: {  	_ =	shalt  }
0x49: {  	_ =	shalt  }
0x4a: {  	_ =	shalt  }
0x4b: {  	_ =	shalt  }
0x4c: {  	_ =	shalt  }
0x4d: {  	_ =	shalt  }
0x4e: {  	_ =	shalt  }
0x4f: {  	_ =	shalt  }
0x50: {  	_ =	shalt  }
0x51: {  	_ =	shalt  }
0x52: {  	_ =	shalt  }
0x53: {  	_ =	shalt  }
0x54: {  	_ =	shalt  }
0x55: {  	_ =	shalt  }
0x56: {  	_ =	shalt  }
0x57: {  	_ =	shalt  }
0x58: {  	_ =	shalt  }
0x59: {  	_ =	shalt  }
0x5a: {  	_ =	shalt  }
0x5b: {  	_ =	shalt  }
0x5c: {  	_ =	shalt  }
0x5d: {  	_ =	shalt  }
0x5e: {  	_ =	shalt  }
0x5f: {  	_ =	shalt  }
0x60: {  	_ =	shalt  }
0x61: {  	_ =	shalt  }
0x62: {  	_ =	shalt  }
0x63: {  	_ =	shalt  }
0x64: {  	_ =	shalt  }
0x65: {  	_ =	shalt  }
0x66: {  	_ =	shalt  }
0x67: {  	_ =	shalt  }
0x68: {  	_ =	shalt  }
0x69: {  	_ =	shalt  }
0x6a: {  	_ =	shalt  }
0x6b: {  	_ =	shalt  }
0x6c: {  	_ =	shalt  }
0x6d: {  	_ =	shalt  }
0x6e: {  	_ =	shalt  }
0x6f: {  	_ =	shalt  }
0x70: {  	_ =	shalt  }
0x71: {  	_ =	shalt  }
0x72: {  	_ =	shalt  }
0x73: {  	_ =	shalt  }
0x74: {  	_ =	shalt  }
0x75: {  	_ =	shalt  }
0x76: {  	_ =	shalt  }
0x77: {  	_ =	shalt  }
0x78: {  	_ =	shalt  }
0x79: {  	_ =	shalt  }
0x7a: {  	_ =	shalt  }
0x7b: {  	_ =	shalt  }
0x7c: {  	_ =	shalt  }
0x7d: {  	_ =	shalt  }
0x7e: {  	_ =	shalt  }
0x7f: {  	_ =	shalt  }
0x80: {  	_ =	shalt  }
0x81: {  	_ =	shalt  }
0x82: {  	_ =	shalt  }
0x83: {  	_ =	shalt  }
0x84: {  	_ =	shalt  }
0x85: {  	_ =	shalt  }
0x86: {  	_ =	shalt  }
0x87: {  	_ =	shalt  }
.Lfunc_end0:
.L_simem_size_0:
called_computation.1_lowered:
.L_overlay_start_0:
0x88: {  	s2 =	sld [smem:$0x3FD9]  }
0x89: {  	s3 =	sld [smem:$0x3FFE];
	_ =	sdelay $0x1  }
0x8a: {  	s1 =	srdreg.scid  }
0x8b: {  	s0 =	sand.u32 $0x1, s1  }
0x8c: {  	s14 =	sshll.u32 s0, $0xA;
	s2 =	sadd.s32 s3, s2  }
0x8d: {  	s2 =	sadd.s32 s2, s14  }
0x8e: {  	[smem:$0x3FC0] =	sst s2  }
0x8f: {  	_ = 	snop  }
0x90: {  	s2 =	sld [smem:$0x3FD0];
	_ =	sdelay $0x2  }
0x91: {  	s15 =	simm.s32 $0xA;
	s4 =	simm.s32 $0x10  }
0x92: {  	[smem:s4], [sflag:s15] =	dma.local [hbm:s2], $0x1  }
0x93: {  	_ =	swait.eq [sflag:s15], $0x1  }
0x94: {  	[sflag:s15] =	ssyncset.done $0x0  }
0x95: {  	[sflag:s15] =	ssyncadd.s32 $0xFFFFFFFF  }
0x96: {  	s16 =	sld [smem:$0x10];
	(tm) =	ssettm $0x1  }
0x97: {  	s17 =	sld [smem:$0x3FFB];
	_ =	sdelay $0x3  }
0x98: {  	_ =	strace s17  }
0x99: {  	s3 =	sld [smem:$0x3FFC];
	_ =	sdelay $0x3  }
0x9a: {  	_ =	strace s3  }
0x9b: {  	s3 =	sld [smem:$0x3FFD];
	_ =	sdelay $0x3  }
0x9c: {  	_ =	strace s3  }
0x9d: {  	_ =	strace $0x8FFFFFFF  }
0x9e: {  	s18 =	sld [smem:$0x3FDB];
	_ =	sdelay $0x1  }
0x9f: {  	s19 =	simm.s32 $_scs_section_size  }
0xa0: {  	s5 =	simm.s32 $_size__tile_overlayer_lowered;
	s6 =	simm.s32 $_tile_overlayer_lowered  }
0xa1: {  	s22 =	simm.s32 $0x1BFF;
	s21 =	sshll.u32 s6, $0x1;
	s3 =	sadd.s32 s19, s18  }
0xa2: {  	s7 =	simm.s32 $0x0;
	s20 =	sshll.u32 s5, $0x1;
	s5 =	sadd.s32 s21, s3  }
0xa3: {  	[timem:s7], [sflag:s22] =	dma.local [hbm:s5], s20  }
0xa4: {  	_ =	swait.ge [sflag:s22], s20  }
0xa5: {  	s4 =	ssub.s32 $0x0, s20;
	[sflag:s22] =	ssyncset.done $0x0  }
0xa6: {  	[sflag:s22] =	ssyncadd.s32 s4;
	_ =	sdelay $0x1  }
0xa7: {  	s23 =	simm.s32 $0x1B8B  }
0xa8: {  	_ =	swait.ge [sflag:s23], $0x1  }
0xa9: {  	[sflag:s23] =	ssyncset.done $0x0  }
0xaa: {  	s25 =	simm.s32 $0x1B8E;
	s24 =	sld [smem:$0x3FFE];
	[sflag:s23] =	ssyncadd.s32 $0xFFFFFFFF  }
0xab: {  	s26 =	simm.s32 $execute0_lowered;
	[smem:$0x3FD2] =	sst s25  }
0xac: {  	s5 =	sshll.u32 s26, $0x1;
	_ =	strace $0x80000049;
	[dreg:$0x1] =	wrdreg $0xFFFFFFFF  }
0xad: {  	s28 =	simm.s32 $_size_execute0_lowered;
	s3 =	sadd.s32 s3, s5;
	[dreg:$0x0] =	wrdreg $0x0  }
0xae: {  	s5 =	sshll.u32 s28, $0x1;
	[dreg:$0x2] =	wrdreg s3  }
0xaf: {  	[dreg:$0x3] =	wrdreg s5  }
0xb0: {  	[dreg:$0x4] =	wrdreg $0xC0  }
0xb1: {  	_ =	task [dreg:s7], $0x5FFFF  }
0xb2: {  	[dreg:$0x1] =	wrdreg $0xFFFFFFFF  }
0xb3: {  	[dreg:$0x0] =	wrdreg $0x60  }
0xb4: {  	[dreg:$0x2] =	wrdreg s24  }
0xb5: {  	[dreg:$0x3] =	wrdreg s16  }
0xb6: {  	[dreg:$0x4] =	wrdreg $0x9  }
0xb7: {  	_ =	task.clear_ibuf [dreg:s7], $0x5FFFF;
	_ =	strace $0x90000049  }
0xb8: {  	s29 =	simm.s32 $0x9;
	_ =	strace $0x8000004B  }
0xb9: {  	_ =	swait.ge [sflag:s29], $0x1  }
0xba: {  	[sflag:s29] =	ssyncadd.s32 $0xFFFFFFFF  }
0xbb: {  	_ =	strace $0x9000004B  }
0xbc: {  	_ =	sfence  }
0xbd: {  	s30 =	sld [smem:$0x0];
	_ =	sdelay $0x2  }
0xbe: {  	s31 =	sshll.u32 s1, $0xD;
	s1 =	sshrl.u32 s1, $0x2  }
0xbf: {  	s3 =	sand.u32 $0x4000, s31;
	s1 =	sadd.s32 s1, s30  }
0xc0: {  	s0 =	sor.u32 s3, s0;
	s1 =	sshll.u32 s1, $0x11  }
0xc1: {  	s0 =	sor.u32 s1, s0  }
0xc2: {  	s0 =	sadd.s32 $0x8F2B, s0  }
0xc3: {  	[sflag:s0] =	ssyncadd.remote.s32 $0x1  }
0xc4: {  	_ =	sfence.sel $0xFFFF  }
0xc5: {  	[dreg:$0x0] =	wrdreg $0xFFFFFFFF;
	(pc) =	sbr.abs _section_cstart, $3  }
0xc6: {  	[dreg:$0x1] =	wrdreg $0xFFFFFFFF  }
0xc7: {  	_ =	task.clear_ibuf [dreg:s7], $0x2FFFF;
	_ =	strace $0x9FFFFFFF  }
0xc8: {  	(tm) =	ssettm $0x7FFFFFFF  }
0xc9: {  	_ =	shalt  }
tec
execute0_lowered:
.L_overlay_start_1:
0x0: {  	(tag) =	ssettag $0x1  }
0x1: {  	s0 =	rddreg [dreg:$0x0]  }
0x2: {  	s1 =	rddreg [dreg:$0x1];
	s2 =	srdreg.scid  }
0x3: {  	s4 =	stileid.u32;
	s26 =	simm.s32 $0x80;
	s18 =	simm.s32 $0x1  }
0x4: {  	s19 =	simm.s32 $0x2;
	s28 =	simm.s32 $0x3100;
	s29 =	simm.s32 $0x3900  }
0x5: {  	s30 =	simm.s32 $0x4100;
	s31 =	simm.s32 $0x4900;
	s11 =	simm.s32 $0x6900  }
0x6: {  	s12 =	simm.s32 $0x7100;
	s13 =	simm.s32 $0x7900;
	s14 =	simm.s32 $0x8900  }
0x7: {  	s15 =	simm.s32 $0x9100;
	s16 =	simm.s32 $0x9900;
	s17 =	simm.s32 $0xA100  }
0x8: {  	s3 =	sand.u32 $0x1, s2;
	s2 =	simm.s32 $0x0;
	s4 =	sshll.u32 s4, $0x7  }
0x9: {  	s8 =	sadd.s32 $0x3000, s0;
	s5 =	sshll.u32 s3, $0x6;
	[smem:$0x7FF] =	sst s2  }
0xa: {  	s6 =	ssub.s32 $0x2, s3;
	s3 =	sadd.s32 $0xC3000, s0;
	s4 =	sor.u32 s5, s4  }
0xb: {  	_ =	strace $0x8000004A;
	s7 =	sshrl.u32 s6, $0x1;
	[dreg:$0x9] =	wrdreg s26  }
0xc: {  	s26 =	simm.s32 $0x2900;
	s5 =	sshrl.u32 s4, $0x3;
	s7 =	ssub.s32 s6, s7  }
0xd: {  	s23 =	sshll.u32 s4, $0x7;
	s4 =	sadd.s32 $0xC3100, s0;
	s6 =	sadd.s32 $0xC3300, s0  }
0xe: {  	s5 =	sadd.s32 s5, s0;
	s24 =	sadd.s32 s1, s23;
	s9 =	sadd.s32 s8, s23  }
0xf: {  	s10 =	sor.u32 $0x1000, s23;
	s7 =	smax.u32 s7, $0x1;
	[dreg:$0x5] =	wrdreg s24  }
0x10: {  	s23 =	simm.s32 $0x1900;
	s22 =	sadd.s32 $0x2C00, s5;
	[dreg:$0x6] =	wrdreg s9  }
0x11: {  	s5 =	sadd.s32 $0x2E00, s5;
	s1 =	sadd.s32 s1, s10;
	[dreg:$0x3] =	wrdreg s22  }
0x12: {  	s25 =	sadd.s32 s8, s10;
	s24 =	simm.s32 $0x2100;
	[dreg:$0x4] =	wrdreg s5  }
0x13: {  	v2 =	vlaneseq.u32;
	s10 =	simm.s32 $0x6100;
	s8 =	simm.s32 $0x8100;
	[dreg:$0x7] =	wrdreg s1  }
0x14: {  	vm0 =	vmmov $0xffff;
	v1 =	vshrl.u32 v2, $0x3;
	s9 =	simm.s32 $0xA900;
	s5 =	sadd.s32 $0xC3200, s0;
	[dreg:$0x8] =	wrdreg s25  }
0x15: {  	v0 =	vand.u32 $0x7, v2;
	v2 =	vor.u32 $0x8, v2;
	v1 =	vmul.u32 $0x8, v1;
	s25 =	simm.s32 $0x100;
	s22 =	simm.s32 $0x1100;
	s1 =	simm.s32 $0x5900  }
.LBB2_1:
0x16: {  	s20 =	rddreg [dreg:$0x3];
	s0 =	simm.s32 $0x3  }
0x17: {  	[tilespmem:s2], [sflag:$0x3] =	stream.linear.gather [hbm4b:s20+s2], $0x40, $0x38;
	[tilespmem:$0x10100] =	vst v63  }
0x18: {  	_ =	swait.ge [sflag:s0], $0x40  }
0x19: {  	s20 =	rddreg [dreg:$0x4];
	[sflag:s0] =	ssyncset.done $0x0  }
0x1a: {  	s21 =	rddreg [dreg:$0x9];
	[sflag:s0] =	ssyncadd.s32 $0xFFFFFFC0  }
0x1b: {  	[tilespmem:s21], [sflag:$0x3] =	stream.linear.gather [hbm4b:s20+s2], $0x40, $0x38;
	[tilespmem:$0x10100] =	vst v63  }
0x1c: {  	_ =	swait.ge [sflag:s0], $0x40  }
0x1d: {  	[sflag:s0] =	ssyncset.done $0x0  }
0x1e: {  	[sflag:s0] =	ssyncadd.s32 $0xFFFFFFC0  }
0x1f: {  	v3 =	vld [tilespmem:$0x0];
	_ =	sdelay $0x4  }
0x20: {  	v4 =	vshll.u32 v3, $0x3  }
0x21: {  	v3 =	vand.u32 $0x7, v3;
	v4 =	vand.u32 $0xFFFFFFC0, v4  }
0x22: {  	v3 =	vor.u32 v3, v4  }
0x23: {  	v4 =	vperm.xlane v3, v0;
	_ =	sdelay $0x1  }
0x24: {  	v4 =	vadd.s32 v1, v4;
	_ =	sdelay $0x4  }
0x25: {  	[tilespmem:s25], [sflag:$0x1] =	stream.indirect_vreg.gather [hbm4b:s3+s2], $0x80, v4, vm0, $0xb8;
	[tilespmem:$0x10100] =	vst v63  }
0x26: {  	s21 =	simm.s32 $0x900;
	v3 =	vperm.xlane v3, v2  }
0x27: {  	[tilespmem:s21], [sflag:$0x1] =	stream.indirect_vreg.gather [hbm4b:s4+s2], $0x80, v4, vm0, $0xb8;
	[tilespmem:$0x10100] =	vst v63  }
0x28: {  	v3 =	vadd.s32 v1, v3  }
0x29: {  	[tilespmem:s22], [sflag:$0x1] =	stream.indirect_vreg.gather [hbm4b:s5+s2], $0x80, v4, vm0, $0xb8;
	[tilespmem:$0x10100] =	vst v63  }
0x2a: {  	_ = 	snop  }
0x2b: {  	[tilespmem:s23], [sflag:$0x1] =	stream.indirect_vreg.gather [hbm4b:s6+s2], $0x80, v4, vm0, $0xb8;
	[tilespmem:$0x10100] =	vst v63  }
0x2c: {  	_ = 	snop  }
0x2d: {  	[tilespmem:s24], [sflag:$0x1] =	stream.indirect_vreg.gather [hbm4b:s3+s2], $0x80, v3, vm0, $0xb8;
	[tilespmem:$0x10100] =	vst v63  }
0x2e: {  	_ = 	snop  }
0x2f: {  	[tilespmem:s26], [sflag:$0x1] =	stream.indirect_vreg.gather [hbm4b:s4+s2], $0x80, v3, vm0, $0xb8;
	[tilespmem:$0x10100] =	vst v63  }
0x30: {  	_ = 	snop  }
0x31: {  	[tilespmem:s28], [sflag:$0x1] =	stream.indirect_vreg.gather [hbm4b:s5+s2], $0x80, v3, vm0, $0xb8;
	[tilespmem:$0x10100] =	vst v63  }
0x32: {  	_ = 	snop  }
0x33: {  	[tilespmem:s29], [sflag:$0x1] =	stream.indirect_vreg.gather [hbm4b:s6+s2], $0x80, v3, vm0, $0xb8;
	[tilespmem:$0x10100] =	vst v63  }
0x34: {  	v3 =	vld [tilespmem:$0x10];
	_ =	sdelay $0x4  }
0x35: {  	v57 =	vshll.u32 v3, $0x3  }
0x36: {  	v3 =	vand.u32 $0x7, v3;
	v4 =	vand.u32 $0xFFFFFFC0, v57  }
0x37: {  	v3 =	vor.u32 v3, v4  }
0x38: {  	v4 =	vperm.xlane v3, v0;
	_ =	sdelay $0x1  }
0x39: {  	v4 =	vadd.s32 v1, v4;
	_ =	sdelay $0x4  }
0x3a: {  	[tilespmem:s30], [sflag:$0x1] =	stream.indirect_vreg.gather [hbm4b:s3+s2], $0x80, v4, vm0, $0xb8;
	[tilespmem:$0x10100] =	vst v63  }
0x3b: {  	v3 =	vperm.xlane v3, v2  }
0x3c: {  	[tilespmem:s31], [sflag:$0x1] =	stream.indirect_vreg.gather [hbm4b:s4+s2], $0x80, v4, vm0, $0xb8;
	[tilespmem:$0x10100] =	vst v63  }
0x3d: {  	s0 =	simm.s32 $0x5100;
	v3 =	vadd.s32 v1, v3  }
0x3e: {  	[tilespmem:s0], [sflag:$0x1] =	stream.indirect_vreg.gather [hbm4b:s5+s2], $0x80, v4, vm0, $0xb8;
	[tilespmem:$0x10100] =	vst v63  }
0x3f: {  	_ = 	snop  }
0x40: {  	[tilespmem:s1], [sflag:$0x1] =	stream.indirect_vreg.gather [hbm4b:s6+s2], $0x80, v4, vm0, $0xb8;
	[tilespmem:$0x10100] =	vst v63  }
0x41: {  	_ = 	snop  }
0x42: {  	[tilespmem:s10], [sflag:$0x1] =	stream.indirect_vreg.gather [hbm4b:s3+s2], $0x80, v3, vm0, $0xb8;
	[tilespmem:$0x10100] =	vst v63  }
0x43: {  	_ = 	snop  }
0x44: {  	[tilespmem:s11], [sflag:$0x1] =	stream.indirect_vreg.gather [hbm4b:s4+s2], $0x80, v3, vm0, $0xb8;
	[tilespmem:$0x10100] =	vst v63  }
0x45: {  	_ = 	snop  }
0x46: {  	[tilespmem:s12], [sflag:$0x1] =	stream.indirect_vreg.gather [hbm4b:s5+s2], $0x80, v3, vm0, $0xb8;
	[tilespmem:$0x10100] =	vst v63  }
0x47: {  	_ = 	snop  }
0x48: {  	[tilespmem:s13], [sflag:$0x1] =	stream.indirect_vreg.gather [hbm4b:s6+s2], $0x80, v3, vm0, $0xb8;
	[tilespmem:$0x10100] =	vst v63  }
0x49: {  	v3 =	vld [tilespmem:$0x80];
	_ =	sdelay $0x4  }
0x4a: {  	v58 =	vshll.u32 v3, $0x3  }
0x4b: {  	v3 =	vand.u32 $0x7, v3;
	v4 =	vand.u32 $0xFFFFFFC0, v58  }
0x4c: {  	v3 =	vor.u32 v3, v4  }
0x4d: {  	v4 =	vperm.xlane v3, v0;
	_ =	sdelay $0x1  }
0x4e: {  	v4 =	vadd.s32 v1, v4;
	_ =	sdelay $0x4  }
0x4f: {  	[tilespmem:s8], [sflag:$0x1] =	stream.indirect_vreg.gather [hbm4b:s3+s2], $0x80, v4, vm0, $0xb8;
	[tilespmem:$0x10100] =	vst v63  }
0x50: {  	v3 =	vperm.xlane v3, v2  }
0x51: {  	[tilespmem:s14], [sflag:$0x1] =	stream.indirect_vreg.gather [hbm4b:s4+s2], $0x80, v4, vm0, $0xb8;
	[tilespmem:$0x10100] =	vst v63  }
0x52: {  	v3 =	vadd.s32 v1, v3  }
0x53: {  	[tilespmem:s15], [sflag:$0x1] =	stream.indirect_vreg.gather [hbm4b:s5+s2], $0x80, v4, vm0, $0xb8;
	[tilespmem:$0x10100] =	vst v63  }
0x54: {  	_ = 	snop  }
0x55: {  	[tilespmem:s16], [sflag:$0x1] =	stream.indirect_vreg.gather [hbm4b:s6+s2], $0x80, v4, vm0, $0xb8;
	[tilespmem:$0x10100] =	vst v63  }
0x56: {  	_ = 	snop  }
0x57: {  	[tilespmem:s17], [sflag:$0x1] =	stream.indirect_vreg.gather [hbm4b:s3+s2], $0x80, v3, vm0, $0xb8;
	[tilespmem:$0x10100] =	vst v63  }
0x58: {  	_ = 	snop  }
0x59: {  	[tilespmem:s9], [sflag:$0x1] =	stream.indirect_vreg.gather [hbm4b:s4+s2], $0x80, v3, vm0, $0xb8;
	[tilespmem:$0x10100] =	vst v63  }
0x5a: {  	s20 =	simm.s32 $0xB100  }
0x5b: {  	[tilespmem:s20], [sflag:$0x1] =	stream.indirect_vreg.gather [hbm4b:s5+s2], $0x80, v3, vm0, $0xb8;
	[tilespmem:$0x10100] =	vst v63  }
0x5c: {  	s20 =	simm.s32 $0xB900  }
0x5d: {  	[tilespmem:s20], [sflag:$0x1] =	stream.indirect_vreg.gather [hbm4b:s6+s2], $0x80, v3, vm0, $0xb8;
	[tilespmem:$0x10100] =	vst v63  }
0x5e: {  	v3 =	vld [tilespmem:$0x90];
	_ =	sdelay $0x4  }
0x5f: {  	v59 =	vshll.u32 v3, $0x3  }
0x60: {  	v3 =	vand.u32 $0x7, v3;
	v4 =	vand.u32 $0xFFFFFFC0, v59  }
0x61: {  	v3 =	vor.u32 v3, v4  }
0x62: {  	v4 =	vperm.xlane v3, v0;
	_ =	sdelay $0x1  }
0x63: {  	v4 =	vadd.s32 v1, v4;
	_ =	sdelay $0x3  }
0x64: {  	s20 =	simm.s32 $0xC100  }
0x65: {  	[tilespmem:s20], [sflag:$0x1] =	stream.indirect_vreg.gather [hbm4b:s3+s2], $0x80, v4, vm0, $0xb8;
	[tilespmem:$0x10100] =	vst v63  }
0x66: {  	v3 =	vperm.xlane v3, v2;
	s20 =	simm.s32 $0xC900  }
0x67: {  	[tilespmem:s20], [sflag:$0x1] =	stream.indirect_vreg.gather [hbm4b:s4+s2], $0x80, v4, vm0, $0xb8;
	[tilespmem:$0x10100] =	vst v63  }
0x68: {  	v3 =	vadd.s32 v1, v3;
	s20 =	simm.s32 $0xD100  }
0x69: {  	[tilespmem:s20], [sflag:$0x1] =	stream.indirect_vreg.gather [hbm4b:s5+s2], $0x80, v4, vm0, $0xb8;
	[tilespmem:$0x10100] =	vst v63  }
0x6a: {  	s20 =	simm.s32 $0xD900  }
0x6b: {  	[tilespmem:s20], [sflag:$0x1] =	stream.indirect_vreg.gather [hbm4b:s6+s2], $0x80, v4, vm0, $0xb8;
	[tilespmem:$0x10100] =	vst v63  }
0x6c: {  	s20 =	simm.s32 $0xE100  }
0x6d: {  	[tilespmem:s20], [sflag:$0x1] =	stream.indirect_vreg.gather [hbm4b:s3+s2], $0x80, v3, vm0, $0xb8;
	[tilespmem:$0x10100] =	vst v63  }
0x6e: {  	s20 =	simm.s32 $0xE900  }
0x6f: {  	[tilespmem:s20], [sflag:$0x1] =	stream.indirect_vreg.gather [hbm4b:s4+s2], $0x80, v3, vm0, $0xb8;
	[tilespmem:$0x10100] =	vst v63  }
0x70: {  	s20 =	simm.s32 $0xF100  }
0x71: {  	[tilespmem:s20], [sflag:$0x1] =	stream.indirect_vreg.gather [hbm4b:s5+s2], $0x80, v3, vm0, $0xb8;
	[tilespmem:$0x10100] =	vst v63  }
0x72: {  	s20 =	simm.s32 $0xF900  }
0x73: {  	[tilespmem:s20], [sflag:$0x1] =	stream.indirect_vreg.gather [hbm4b:s6+s2], $0x80, v3, vm0, $0xb8;
	[tilespmem:$0x10100] =	vst v63  }
0x74: {  	_ =	swait.ge [sflag:s18], $0x8000  }
0x75: {  	[sflag:s18] =	ssyncset.done $0x0  }
0x76: {  	s20 =	rddreg [dreg:$0x5];
	[sflag:s18] =	ssyncadd.s32 $0xFFFF8000  }
0x77: {  	[hbm4b:s20+s2] =	stream.linear.scatter [tilespmem:s25], [sflag:$0x2], $0x8000, $0x38;
	[tilespmem:$0x10100] =	vst v63  }
0x78: {  	_ =	swait.ge [sflag:s18], $0x8000  }
0x79: {  	[sflag:s18] =	ssyncset.done $0x0  }
0x7a: {  	s20 =	rddreg [dreg:$0x6];
	[sflag:s18] =	ssyncadd.s32 $0xFFFF8000  }
0x7b: {  	[hbm4b:s20+s2] =	stream.linear.scatter [tilespmem:s8], [sflag:$0x2], $0x8000, $0x38;
	[tilespmem:$0x10100] =	vst v63  }
0x7c: {  	_ =	swait.ge [sflag:s19], $0x8000  }
0x7d: {  	[sflag:s19] =	ssyncset.done $0x0  }
0x7e: {  	[sflag:s19] =	ssyncadd.s32 $0xFFFF8000  }
0x7f: {  	_ =	swait.ge [sflag:s19], $0x8000  }
0x80: {  	[sflag:s19] =	ssyncset.done $0x0  }
0x81: {  	[sflag:s19] =	ssyncadd.s32 $0xFFFF8000  }
0x82: {  	v3 =	vld [tilespmem:$0x20];
	_ =	sdelay $0x4  }
0x83: {  	v60 =	vshll.u32 v3, $0x3  }
0x84: {  	v3 =	vand.u32 $0x7, v3;
	v4 =	vand.u32 $0xFFFFFFC0, v60  }
0x85: {  	v3 =	vor.u32 v3, v4  }
0x86: {  	v4 =	vperm.xlane v3, v0;
	_ =	sdelay $0x1  }
0x87: {  	v4 =	vadd.s32 v1, v4;
	_ =	sdelay $0x4  }
0x88: {  	[tilespmem:s25], [sflag:$0x1] =	stream.indirect_vreg.gather [hbm4b:s3+s2], $0x80, v4, vm0, $0xb8;
	[tilespmem:$0x10100] =	vst v63  }
0x89: {  	v3 =	vperm.xlane v3, v2  }
0x8a: {  	[tilespmem:s21], [sflag:$0x1] =	stream.indirect_vreg.gather [hbm4b:s4+s2], $0x80, v4, vm0, $0xb8;
	[tilespmem:$0x10100] =	vst v63  }
0x8b: {  	v3 =	vadd.s32 v1, v3  }
0x8c: {  	[tilespmem:s22], [sflag:$0x1] =	stream.indirect_vreg.gather [hbm4b:s5+s2], $0x80, v4, vm0, $0xb8;
	[tilespmem:$0x10100] =	vst v63  }
0x8d: {  	_ = 	snop  }
0x8e: {  	[tilespmem:s23], [sflag:$0x1] =	stream.indirect_vreg.gather [hbm4b:s6+s2], $0x80, v4, vm0, $0xb8;
	[tilespmem:$0x10100] =	vst v63  }
0x8f: {  	_ = 	snop  }
0x90: {  	[tilespmem:s24], [sflag:$0x1] =	stream.indirect_vreg.gather [hbm4b:s3+s2], $0x80, v3, vm0, $0xb8;
	[tilespmem:$0x10100] =	vst v63  }
0x91: {  	_ = 	snop  }
0x92: {  	[tilespmem:s26], [sflag:$0x1] =	stream.indirect_vreg.gather [hbm4b:s4+s2], $0x80, v3, vm0, $0xb8;
	[tilespmem:$0x10100] =	vst v63  }
0x93: {  	_ = 	snop  }
0x94: {  	[tilespmem:s28], [sflag:$0x1] =	stream.indirect_vreg.gather [hbm4b:s5+s2], $0x80, v3, vm0, $0xb8;
	[tilespmem:$0x10100] =	vst v63  }
0x95: {  	_ = 	snop  }
0x96: {  	[tilespmem:s29], [sflag:$0x1] =	stream.indirect_vreg.gather [hbm4b:s6+s2], $0x80, v3, vm0, $0xb8;
	[tilespmem:$0x10100] =	vst v63  }
0x97: {  	v3 =	vld [tilespmem:$0x30];
	_ =	sdelay $0x4  }
0x98: {  	v61 =	vshll.u32 v3, $0x3  }
0x99: {  	v3 =	vand.u32 $0x7, v3;
	v4 =	vand.u32 $0xFFFFFFC0, v61  }
0x9a: {  	v3 =	vor.u32 v3, v4  }
0x9b: {  	v4 =	vperm.xlane v3, v0;
	_ =	sdelay $0x1  }
0x9c: {  	v4 =	vadd.s32 v1, v4;
	_ =	sdelay $0x4  }
0x9d: {  	[tilespmem:s30], [sflag:$0x1] =	stream.indirect_vreg.gather [hbm4b:s3+s2], $0x80, v4, vm0, $0xb8;
	[tilespmem:$0x10100] =	vst v63  }
0x9e: {  	v3 =	vperm.xlane v3, v2  }
0x9f: {  	[tilespmem:s31], [sflag:$0x1] =	stream.indirect_vreg.gather [hbm4b:s4+s2], $0x80, v4, vm0, $0xb8;
	[tilespmem:$0x10100] =	vst v63  }
0xa0: {  	v3 =	vadd.s32 v1, v3  }
0xa1: {  	[tilespmem:s0], [sflag:$0x1] =	stream.indirect_vreg.gather [hbm4b:s5+s2], $0x80, v4, vm0, $0xb8;
	[tilespmem:$0x10100] =	vst v63  }
0xa2: {  	_ = 	snop  }
0xa3: {  	[tilespmem:s1], [sflag:$0x1] =	stream.indirect_vreg.gather [hbm4b:s6+s2], $0x80, v4, vm0, $0xb8;
	[tilespmem:$0x10100] =	vst v63  }
0xa4: {  	_ = 	snop  }
0xa5: {  	[tilespmem:s10], [sflag:$0x1] =	stream.indirect_vreg.gather [hbm4b:s3+s2], $0x80, v3, vm0, $0xb8;
	[tilespmem:$0x10100] =	vst v63  }
0xa6: {  	_ = 	snop  }
0xa7: {  	[tilespmem:s11], [sflag:$0x1] =	stream.indirect_vreg.gather [hbm4b:s4+s2], $0x80, v3, vm0, $0xb8;
	[tilespmem:$0x10100] =	vst v63  }
0xa8: {  	_ = 	snop  }
0xa9: {  	[tilespmem:s12], [sflag:$0x1] =	stream.indirect_vreg.gather [hbm4b:s5+s2], $0x80, v3, vm0, $0xb8;
	[tilespmem:$0x10100] =	vst v63  }
0xaa: {  	_ = 	snop  }
0xab: {  	[tilespmem:s13], [sflag:$0x1] =	stream.indirect_vreg.gather [hbm4b:s6+s2], $0x80, v3, vm0, $0xb8;
	[tilespmem:$0x10100] =	vst v63  }
0xac: {  	v3 =	vld [tilespmem:$0xA0];
	_ =	sdelay $0x4  }
0xad: {  	v62 =	vshll.u32 v3, $0x3  }
0xae: {  	v3 =	vand.u32 $0x7, v3;
	v4 =	vand.u32 $0xFFFFFFC0, v62  }
0xaf: {  	v3 =	vor.u32 v3, v4  }
0xb0: {  	v4 =	vperm.xlane v3, v0;
	_ =	sdelay $0x1  }
0xb1: {  	v4 =	vadd.s32 v1, v4;
	_ =	sdelay $0x4  }
0xb2: {  	[tilespmem:s8], [sflag:$0x1] =	stream.indirect_vreg.gather [hbm4b:s3+s2], $0x80, v4, vm0, $0xb8;
	[tilespmem:$0x10100] =	vst v63  }
0xb3: {  	v3 =	vperm.xlane v3, v2  }
0xb4: {  	[tilespmem:s14], [sflag:$0x1] =	stream.indirect_vreg.gather [hbm4b:s4+s2], $0x80, v4, vm0, $0xb8;
	[tilespmem:$0x10100] =	vst v63  }
0xb5: {  	v3 =	vadd.s32 v1, v3  }
0xb6: {  	[tilespmem:s15], [sflag:$0x1] =	stream.indirect_vreg.gather [hbm4b:s5+s2], $0x80, v4, vm0, $0xb8;
	[tilespmem:$0x10100] =	vst v63  }
0xb7: {  	_ = 	snop  }
0xb8: {  	[tilespmem:s16], [sflag:$0x1] =	stream.indirect_vreg.gather [hbm4b:s6+s2], $0x80, v4, vm0, $0xb8;
	[tilespmem:$0x10100] =	vst v63  }
0xb9: {  	_ = 	snop  }
0xba: {  	[tilespmem:s17], [sflag:$0x1] =	stream.indirect_vreg.gather [hbm4b:s3+s2], $0x80, v3, vm0, $0xb8;
	[tilespmem:$0x10100] =	vst v63  }
0xbb: {  	_ = 	snop  }
0xbc: {  	[tilespmem:s9], [sflag:$0x1] =	stream.indirect_vreg.gather [hbm4b:s4+s2], $0x80, v3, vm0, $0xb8;
	[tilespmem:$0x10100] =	vst v63  }
0xbd: {  	s20 =	simm.s32 $0xB100  }
0xbe: {  	[tilespmem:s20], [sflag:$0x1] =	stream.indirect_vreg.gather [hbm4b:s5+s2], $0x80, v3, vm0, $0xb8;
	[tilespmem:$0x10100] =	vst v63  }
0xbf: {  	s21 =	simm.s32 $0xB900  }
0xc0: {  	[tilespmem:s21], [sflag:$0x1] =	stream.indirect_vreg.gather [hbm4b:s6+s2], $0x80, v3, vm0, $0xb8;
	[tilespmem:$0x10100] =	vst v63  }
0xc1: {  	v3 =	vld [tilespmem:$0xB0];
	_ =	sdelay $0x4  }
0xc2: {  	v63 =	vshll.u32 v3, $0x3  }
0xc3: {  	v3 =	vand.u32 $0x7, v3;
	v4 =	vand.u32 $0xFFFFFFC0, v63  }
0xc4: {  	v3 =	vor.u32 v3, v4  }
0xc5: {  	v4 =	vperm.xlane v3, v0;
	_ =	sdelay $0x1  }
0xc6: {  	v4 =	vadd.s32 v1, v4;
	_ =	sdelay $0x3  }
0xc7: {  	s20 =	simm.s32 $0xC100  }
0xc8: {  	[tilespmem:s20], [sflag:$0x1] =	stream.indirect_vreg.gather [hbm4b:s3+s2], $0x80, v4, vm0, $0xb8;
	[tilespmem:$0x10100] =	vst v63  }
0xc9: {  	s21 =	simm.s32 $0xC900;
	v3 =	vperm.xlane v3, v2  }
0xca: {  	[tilespmem:s21], [sflag:$0x1] =	stream.indirect_vreg.gather [hbm4b:s4+s2], $0x80, v4, vm0, $0xb8;
	[tilespmem:$0x10100] =	vst v63  }
0xcb: {  	v3 =	vadd.s32 v1, v3;
	s20 =	simm.s32 $0xD100  }
0xcc: {  	[tilespmem:s20], [sflag:$0x1] =	stream.indirect_vreg.gather [hbm4b:s5+s2], $0x80, v4, vm0, $0xb8;
	[tilespmem:$0x10100] =	vst v63  }
0xcd: {  	s21 =	simm.s32 $0xD900  }
0xce: {  	[tilespmem:s21], [sflag:$0x1] =	stream.indirect_vreg.gather [hbm4b:s6+s2], $0x80, v4, vm0, $0xb8;
	[tilespmem:$0x10100] =	vst v63  }
0xcf: {  	s20 =	simm.s32 $0xE100  }
0xd0: {  	[tilespmem:s20], [sflag:$0x1] =	stream.indirect_vreg.gather [hbm4b:s3+s2], $0x80, v3, vm0, $0xb8;
	[tilespmem:$0x10100] =	vst v63  }
0xd1: {  	s21 =	simm.s32 $0xE900  }
0xd2: {  	[tilespmem:s21], [sflag:$0x1] =	stream.indirect_vreg.gather [hbm4b:s4+s2], $0x80, v3, vm0, $0xb8;
	[tilespmem:$0x10100] =	vst v63  }
0xd3: {  	s20 =	simm.s32 $0xF100  }
0xd4: {  	[tilespmem:s20], [sflag:$0x1] =	stream.indirect_vreg.gather [hbm4b:s5+s2], $0x80, v3, vm0, $0xb8;
	[tilespmem:$0x10100] =	vst v63  }
0xd5: {  	s21 =	simm.s32 $0xF900  }
0xd6: {  	[tilespmem:s21], [sflag:$0x1] =	stream.indirect_vreg.gather [hbm4b:s6+s2], $0x80, v3, vm0, $0xb8;
	[tilespmem:$0x10100] =	vst v63  }
0xd7: {  	_ =	swait.ge [sflag:s18], $0x8000  }
0xd8: {  	[sflag:s18] =	ssyncset.done $0x0  }
0xd9: {  	s0 =	rddreg [dreg:$0x7];
	[sflag:s18] =	ssyncadd.s32 $0xFFFF8000  }
0xda: {  	[hbm4b:s0+s2] =	stream.linear.scatter [tilespmem:s25], [sflag:$0x2], $0x8000, $0x38;
	[tilespmem:$0x10100] =	vst v63  }
0xdb: {  	_ =	swait.ge [sflag:s18], $0x8000  }
0xdc: {  	[sflag:s18] =	ssyncset.done $0x0  }
0xdd: {  	s21 =	rddreg [dreg:$0x8];
	[sflag:s18] =	ssyncadd.s32 $0xFFFF8000  }
0xde: {  	[hbm4b:s21+s2] =	stream.linear.scatter [tilespmem:s8], [sflag:$0x2], $0x8000, $0x38;
	[tilespmem:$0x10100] =	vst v63  }
0xdf: {  	p0 =	sne.s32 s7, $0x1;
	_ =	swait.ge [sflag:s19], $0x8000  }
.Ltmp0:
0xe0: {  	[sflag:s19] =	ssyncset.done $0x0;
	(pc) =	sbr.rel @p0 .LBB2_1-.Ltmp0, $4  }
0xe1: {  	[sflag:s19] =	ssyncadd.s32 $0xFFFF8000  }
0xe2: {  	_ =	swait.ge [sflag:s19], $0x8000  }
0xe3: {  	[sflag:s19] =	ssyncset.done $0x0  }
0xe4: {  	s7 =	sadd.s32 $0xFFFFFFFF, s7;
	[sflag:s19] =	ssyncadd.s32 $0xFFFF8000  }
0xe5: {  	_ =	sfence.sel $0x180000  }
0xe6: {  	[bflag:$0x0] =	sbarrier.arrive $0xFFFF  }
0xe7: {  	_ =	strace $0x9000004A  }
0xe8: {  	s0 =	stileid.u32;
	[bflag:$0x2] =	sbarrier.arrive $0xFFFF  }
0xe9: {  	p0 =	sne.s32 s0, $0x0;
	s0 =	rddreg [dreg:$0x2]  }
0xea: {  	s0 =	sadd.s32 @!p0 $0x100000, s0  }
0xeb: {  	[sflag:s0] =	ssyncadd.tile.s32 @!p0 $0x1;
	_ =	shalt  }
.Lfunc_end2:
_tile_overlayer_lowered:
.L_overlay_start_2:
0xec: {  	(tag) =	ssettag $0x2  }
0xed: {  	s0 =	rddreg [dreg:$0x0];
	s2 =	stileid.u32  }
0xee: {  	s1 =	rddreg [dreg:$0x1];
	p0 =	sne.s32 s2, $0x0  }
0xef: {  	s3 =	rddreg [dreg:$0x2];
	[bflag:$0x3] =	sbarrier.arrive $0xFFFF;
	s2 =	simm.s32 @!p0 $0x1C03  }
0xf0: {  	[timem:s3], [sflag:s2] =	dma.local @!p0 [hbm:s0], s1  }
0xf1: {  	s0 =	simm.s32 @!p0 $0x3  }
0xf2: {  	_ =	swait.ge @!p0 [sflag:s0], s1  }
0xf3: {  	s1 =	ssub.s32 @!p0 $0x0, s1;
	[sflag:s0] =	ssyncset.done @!p0 $0x0  }
0xf4: {  	[sflag:s0] =	ssyncadd.s32 @!p0 s1  }
0xf5: {  	[bflag:$0x3] =	sbarrier.arrive $0xFFFF  }
0xf6: {  	_ =	shalt  }

// kernel: kernel.8.cloned.1.call-start
scs
__scs_entry_jumppad:
0x0: {  	(pc) =	sbr.rel $0x88, $3  }
0x1: {  	(tag) =	ssettag $0x0;
	lr =	simm.s32 $0x1  }
0x2: {  	[smem:$0x3F99] =	sst lr;
	_ =	strace $0xD0000000  }
0x3: {  	_ = 	snop  }
0x4: {  	_ = 	snop  }
0x5: {  	_ = 	snop  }
0x6: {  	_ = 	snop  }
0x7: {  	_ = 	snop  }
__scs_overlays_trampoline_lowered:
0x8: {  	[smem:$0x3FA8] =	sst s0  }
0x9: {  	[smem:$0x3FA9] =	sst s1  }
0xa: {  	[smem:$0x3FAA] =	sst s2  }
0xb: {  	[smem:$0x3FAB] =	sst s3  }
0xc: {  	[smem:$0x3FAC] =	sst s4  }
0xd: {  	[smem:$0x3FAD] =	sst s5  }
0xe: {  	[smem:$0x3FAE] =	sst s6  }
0xf: {  	[smem:$0x3FAF] =	sst s7  }
0x10: {  	[smem:$0x3FB0] =	sst s8  }
0x11: {  	[smem:$0x3FB1] =	sst s9;
	s0 =	simm.s32 @!p0 $0x0  }
0x12: {  	s1 =	sld [smem:$0x3F97];
	s0 =	simm.s32 @p0 $0x1  }
0x13: {  	[smem:$0x3FB2] =	sst s0;
	s0 =	simm.s32 @!p1 $0x0  }
0x14: {  	s2 =	sld [smem:$0x3F96];
	s0 =	simm.s32 @p1 $0x1  }
0x15: {  	[smem:$0x3FB3] =	sst s0;
	s0 =	simm.s32 @!p2 $0x0  }
0x16: {  	s3 =	sld [smem:$0x3FDB];
	s0 =	simm.s32 @p2 $0x1  }
0x17: {  	s4 =	simm.s32 $0x1BF5;
	[smem:$0x3FB5] =	sst s0  }
0x18: {  	s0 =	sld [smem:$0x3F98];
	_ =	swait.ge [sflag:s4], $0x0  }
0x19: {  	s7 =	sld [smem:$0x3F99]  }
0x1a: {  	s8 =	sadd.s32 $0xFFFFE003, lr  }
0x1b: {  	s9 =	sadd.s32 $0xFFFFFEF7, lr;
	s5 =	simm.s32 $0xFFFFFFFF;
	p2 =	slt.u32 s8, $0xFFFFF086  }
0x1c: {  	p1 =	slt.u32 s9, $0xF7A;
	s5 =	simm.s32 @!p2 $0x0  }
0x1d: {  	s5 =	simm.s32 @p1 $0x1;
	p0 =	seq.s32 s7, s2  }
0x1e: {  	s7 =	smul.u32 @!p0 $0xF7A, s2;
	p2 =	seq.s32 @!p0 s5, $0x0  }
0x1f: {  	s9 =	smul.u32 $0xF7A, s1;
	s8 =	simm.s32 @!p0 $0x1BF5;
	p2 =	por !p2, p0  }
0x20: {  	[sflag:s8] =	ssyncset.s32 @!p0 $0xFFFFF086;
	s6 =	sadd.s32 @!p0 s3, s7;
	s7 =	simm.s32 @!p0 $0x108  }
0x21: {  	s3 =	sadd.s32 s3, s9;
	s6 =	sadd.s32 @!p0 $0x88, s6;
	s7 =	simm.s32 @p2 $0x1082  }
0x22: {  	[simem:s7], [sflag:s8] =	dma.local @!p0 [hbm:s6], $0xF7A  }
0x23: {  	s9 =	sor.u32 $0xD0000000, s2;
	s6 =	simm.s32 $0x108;
	_ =	swait.ge @!p0 [sflag:s8], $0x0  }
0x24: {  	s3 =	sadd.s32 $0x88, s3;
	s6 =	simm.s32 @!p1 $0x1082;
	[sflag:s4] =	ssyncset.s32 $0xFFFFF086  }
0x25: {  	[simem:s6], [sflag:s4] =	dma.local [hbm:s3], $0xF7A  }
0x26: {  	[smem:$0x3F99] =	sst s1;
	(tag) =	ssettag s2;
	_ =	strace s9  }
0x27: {  	s1 =	sld [smem:$0x3FA9]  }
0x28: {  	s2 =	sld [smem:$0x3FAA]  }
0x29: {  	s4 =	sld [smem:$0x3FAC]  }
0x2a: {  	p0 =	seq.s32 s5, $0x0;
	s5 =	sld [smem:$0x3FAD]  }
0x2b: {  	s6 =	sld [smem:$0x3FAE]  }
0x2c: {  	s7 =	sld [smem:$0x3FAF]  }
0x2d: {  	s3 =	simm.s32 $0x108;
	s8 =	sld [smem:$0x3FB0]  }
0x2e: {  	s3 =	simm.s32 @!p0 $0x1082;
	s9 =	sld [smem:$0x3FB1]  }
0x2f: {  	lr =	sadd.s32 s0, s3;
	s0 =	sld [smem:$0x3FA8]  }
0x30: {  	s3 =	sld [smem:$0x3FAB]  }
0x31: {  	[smem:$0x3FB4] =	sst s10  }
0x32: {  	s10 =	sld [smem:$0x3FB2];
	_ =	sdelay $0x3  }
0x33: {  	p0 =	seq.s32 s10, $0x1;
	s10 =	sld [smem:$0x3FB4];
	_ =	sdelay $0x3  }
0x34: {  	[smem:$0x3FB4] =	sst s10  }
0x35: {  	s10 =	sld [smem:$0x3FB3];
	_ =	sdelay $0x3  }
0x36: {  	p1 =	seq.s32 s10, $0x1;
	s10 =	sld [smem:$0x3FB4];
	_ =	sdelay $0x3  }
0x37: {  	[smem:$0x3FB4] =	sst s10  }
0x38: {  	s10 =	sld [smem:$0x3FB5]  }
0x39: {  	_ = 	snop;
	(pc) =	sbr.ind lr, $3  }
0x3a: {  	_ = 	snop  }
0x3b: {  	_ = 	snop  }
0x3c: {  	p2 =	seq.s32 s10, $0x1;
	s10 =	sld [smem:$0x3FB4]  }
0x3d: {  	_ =	shalt  }
0x3e: {  	_ =	shalt  }
0x3f: {  	_ =	shalt  }
0x40: {  	_ =	shalt  }
0x41: {  	_ =	shalt  }
0x42: {  	_ =	shalt  }
0x43: {  	_ =	shalt  }
0x44: {  	_ =	shalt  }
0x45: {  	_ =	shalt  }
0x46: {  	_ =	shalt  }
0x47: {  	_ =	shalt  }
0x48: {  	_ =	shalt  }
0x49: {  	_ =	shalt  }
0x4a: {  	_ =	shalt  }
0x4b: {  	_ =	shalt  }
0x4c: {  	_ =	shalt  }
0x4d: {  	_ =	shalt  }
0x4e: {  	_ =	shalt  }
0x4f: {  	_ =	shalt  }
0x50: {  	_ =	shalt  }
0x51: {  	_ =	shalt  }
0x52: {  	_ =	shalt  }
0x53: {  	_ =	shalt  }
0x54: {  	_ =	shalt  }
0x55: {  	_ =	shalt  }
0x56: {  	_ =	shalt  }
0x57: {  	_ =	shalt  }
0x58: {  	_ =	shalt  }
0x59: {  	_ =	shalt  }
0x5a: {  	_ =	shalt  }
0x5b: {  	_ =	shalt  }
0x5c: {  	_ =	shalt  }
0x5d: {  	_ =	shalt  }
0x5e: {  	_ =	shalt  }
0x5f: {  	_ =	shalt  }
0x60: {  	_ =	shalt  }
0x61: {  	_ =	shalt  }
0x62: {  	_ =	shalt  }
0x63: {  	_ =	shalt  }
0x64: {  	_ =	shalt  }
0x65: {  	_ =	shalt  }
0x66: {  	_ =	shalt  }
0x67: {  	_ =	shalt  }
0x68: {  	_ =	shalt  }
0x69: {  	_ =	shalt  }
0x6a: {  	_ =	shalt  }
0x6b: {  	_ =	shalt  }
0x6c: {  	_ =	shalt  }
0x6d: {  	_ =	shalt  }
0x6e: {  	_ =	shalt  }
0x6f: {  	_ =	shalt  }
0x70: {  	_ =	shalt  }
0x71: {  	_ =	shalt  }
0x72: {  	_ =	shalt  }
0x73: {  	_ =	shalt  }
0x74: {  	_ =	shalt  }
0x75: {  	_ =	shalt  }
0x76: {  	_ =	shalt  }
0x77: {  	_ =	shalt  }
0x78: {  	_ =	shalt  }
0x79: {  	_ =	shalt  }
0x7a: {  	_ =	shalt  }
0x7b: {  	_ =	shalt  }
0x7c: {  	_ =	shalt  }
0x7d: {  	_ =	shalt  }
0x7e: {  	_ =	shalt  }
0x7f: {  	_ =	shalt  }
0x80: {  	_ =	shalt  }
0x81: {  	_ =	shalt  }
0x82: {  	_ =	shalt  }
0x83: {  	_ =	shalt  }
0x84: {  	_ =	shalt  }
0x85: {  	_ =	shalt  }
0x86: {  	_ =	shalt  }
0x87: {  	_ =	shalt  }
.Lfunc_end0:
.L_simem_size_0:
called_computation_lowered:
.L_overlay_start_0:
0x88: {  	s2 =	sld [smem:$0x3FD9]  }
0x89: {  	s3 =	sld [smem:$0x3FFE];
	_ =	sdelay $0x1  }
0x8a: {  	s1 =	srdreg.scid  }
0x8b: {  	s0 =	sand.u32 $0x1, s1  }
0x8c: {  	s17 =	sshll.u32 s0, $0xA;
	s2 =	sadd.s32 s3, s2  }
0x8d: {  	s2 =	sadd.s32 s2, s17  }
0x8e: {  	[smem:$0x3FC0] =	sst s2  }
0x8f: {  	_ = 	snop  }
0x90: {  	s2 =	sld [smem:$0x3FC9];
	(tm) =	ssettm $0x1  }
0x91: {  	s18 =	sld [smem:$0x3FFB];
	_ =	sdelay $0x3  }
0x92: {  	_ =	strace s18  }
0x93: {  	s3 =	sld [smem:$0x3FFC];
	_ =	sdelay $0x3  }
0x94: {  	_ =	strace s3  }
0x95: {  	s3 =	sld [smem:$0x3FFD];
	_ =	sdelay $0x3  }
0x96: {  	_ =	strace s3  }
0x97: {  	_ =	strace $0x8FFFFFFF  }
0x98: {  	s19 =	sld [smem:$0x3FDB];
	_ =	sdelay $0x1  }
0x99: {  	s4 =	simm.s32 $_scs_section_size  }
0x9a: {  	s5 =	simm.s32 $_size__tile_overlayer_lowered;
	s6 =	simm.s32 $_tile_overlayer_lowered  }
0x9b: {  	s22 =	simm.s32 $0x1BFF;
	s21 =	sshll.u32 s6, $0x1;
	s3 =	sadd.s32 s4, s19  }
0x9c: {  	s7 =	simm.s32 $0x0;
	s20 =	sshll.u32 s5, $0x1;
	s5 =	sadd.s32 s21, s3  }
0x9d: {  	[timem:s7], [sflag:s22] =	dma.local [hbm:s5], s20  }
0x9e: {  	_ =	swait.ge [sflag:s22], s20  }
0x9f: {  	s4 =	ssub.s32 $0x0, s20;
	[sflag:s22] =	ssyncset.done $0x0  }
0xa0: {  	[sflag:s22] =	ssyncadd.s32 s4;
	_ =	sdelay $0x1  }
0xa1: {  	s23 =	simm.s32 $0x1B8B  }
0xa2: {  	_ =	swait.ge [sflag:s23], $0x1  }
0xa3: {  	[sflag:s23] =	ssyncset.done $0x0  }
0xa4: {  	s25 =	simm.s32 $0x1B8E;
	s24 =	sld [smem:$0x3FFE];
	[sflag:s23] =	ssyncadd.s32 $0xFFFFFFFF  }
0xa5: {  	s26 =	simm.s32 $execute0_lowered;
	[smem:$0x3FD2] =	sst s25  }
0xa6: {  	s5 =	sshll.u32 s26, $0x1;
	_ =	strace $0x80000046;
	[dreg:$0x1] =	wrdreg $0xFFFFFFFF  }
0xa7: {  	s28 =	simm.s32 $_size_execute0_lowered;
	s3 =	sadd.s32 s3, s5;
	[dreg:$0x0] =	wrdreg $0x0  }
0xa8: {  	s5 =	sshll.u32 s28, $0x1;
	[dreg:$0x2] =	wrdreg s3  }
0xa9: {  	[dreg:$0x3] =	wrdreg s5  }
0xaa: {  	[dreg:$0x4] =	wrdreg $0xC0  }
0xab: {  	_ =	task [dreg:s7], $0x5FFFF  }
0xac: {  	[dreg:$0x1] =	wrdreg $0xFFFFFFFF  }
0xad: {  	[dreg:$0x0] =	wrdreg $0x60  }
0xae: {  	[dreg:$0x2] =	wrdreg s2  }
0xaf: {  	[dreg:$0x3] =	wrdreg s24  }
0xb0: {  	[dreg:$0x4] =	wrdreg $0x9  }
0xb1: {  	_ =	task.clear_ibuf [dreg:s7], $0x5FFFF;
	_ =	strace $0x90000046  }
0xb2: {  	s29 =	simm.s32 $0x9;
	_ =	strace $0x80000048  }
0xb3: {  	_ =	swait.ge [sflag:s29], $0x1  }
0xb4: {  	[sflag:s29] =	ssyncadd.s32 $0xFFFFFFFF  }
0xb5: {  	_ =	strace $0x90000048  }
0xb6: {  	_ =	sfence  }
0xb7: {  	s30 =	sld [smem:$0x0];
	_ =	sdelay $0x2  }
0xb8: {  	s31 =	sshll.u32 s1, $0xD;
	s1 =	sshrl.u32 s1, $0x2  }
0xb9: {  	s3 =	sand.u32 $0x4000, s31;
	s1 =	sadd.s32 s1, s30  }
0xba: {  	s0 =	sor.u32 s3, s0;
	s1 =	sshll.u32 s1, $0x11  }
0xbb: {  	s0 =	sor.u32 s1, s0  }
0xbc: {  	s0 =	sadd.s32 $0x8F2B, s0  }
0xbd: {  	[sflag:s0] =	ssyncadd.remote.s32 $0x1  }
0xbe: {  	_ =	sfence.sel $0xFFFF  }
0xbf: {  	[dreg:$0x0] =	wrdreg $0xFFFFFFFF;
	(pc) =	sbr.abs _section_cstart, $3  }
0xc0: {  	[dreg:$0x1] =	wrdreg $0xFFFFFFFF  }
0xc1: {  	_ =	task.clear_ibuf [dreg:s7], $0x2FFFF;
	_ =	strace $0x9FFFFFFF  }
0xc2: {  	(tm) =	ssettm $0x7FFFFFFF  }
0xc3: {  	_ =	shalt  }
tec
execute0_lowered:
.L_overlay_start_1:
0x0: {  	(tag) =	ssettag $0x1  }
0x1: {  	s0 =	srdreg.scid  }
0x2: {  	s1 =	rddreg [dreg:$0x0];
	s2 =	stileid.u32  }
0x3: {  	s6 =	rddreg [dreg:$0x1];
	s26 =	simm.s32 $0x80;
	s8 =	simm.s32 $0x2  }
0x4: {  	s18 =	simm.s32 $0x100;
	s21 =	simm.s32 $0x1900;
	s22 =	simm.s32 $0x2100  }
0x5: {  	s23 =	simm.s32 $0x2900;
	s24 =	simm.s32 $0x3100;
	s28 =	simm.s32 $0x4900  }
0x6: {  	s29 =	simm.s32 $0x5100;
	s30 =	simm.s32 $0x5900;
	s31 =	simm.s32 $0x6100  }
0x7: {  	s10 =	simm.s32 $0x7900;
	s11 =	simm.s32 $0x8100;
	s12 =	simm.s32 $0x8900  }
0x8: {  	s13 =	simm.s32 $0x9100;
	s14 =	simm.s32 $0x9900;
	s15 =	simm.s32 $0xA100  }
0x9: {  	s16 =	simm.s32 $0xA900;
	s17 =	simm.s32 $0xB100;
	s9 =	simm.s32 $0xB900  }
0xa: {  	s0 =	sand.u32 $0x1, s0;
	s3 =	sshll.u32 s2, $0x7;
	s2 =	simm.s32 $0x0  }
0xb: {  	s4 =	sshll.u32 s0, $0x6;
	[smem:$0x7FF] =	sst s2;
	s0 =	ssub.s32 $0x2, s0  }
0xc: {  	s4 =	sor.u32 s4, s3;
	_ =	strace $0x80000047;
	s25 =	sshrl.u32 s0, $0x1  }
0xd: {  	[dreg:$0x6] =	wrdreg s26;
	s3 =	sshrl.u32 s4, $0x3;
	s4 =	sshll.u32 s4, $0x7  }
0xe: {  	s26 =	simm.s32 $0x4100;
	s5 =	sadd.s32 s3, s6;
	s1 =	sadd.s32 s1, s4  }
0xf: {  	s0 =	ssub.s32 s0, s25;
	s7 =	sadd.s32 $0x2C00, s5;
	[dreg:$0x5] =	wrdreg s1  }
0x10: {  	v2 =	vlaneseq.u32;
	s25 =	simm.s32 $0x3900;
	s5 =	sadd.s32 $0x2E00, s5;
	[dreg:$0x3] =	wrdreg s7  }
0x11: {  	vm0 =	vmmov $0xffff;
	v1 =	vshrl.u32 v2, $0x3;
	s3 =	sadd.s32 $0x3000, s6;
	s4 =	sadd.s32 $0x3100, s6;
	[dreg:$0x4] =	wrdreg s5  }
0x12: {  	v0 =	vand.u32 $0x7, v2;
	v2 =	vor.u32 $0x8, v2;
	v1 =	vmul.u32 $0x8, v1;
	s5 =	sadd.s32 $0x3200, s6;
	s6 =	sadd.s32 $0x3300, s6;
	s7 =	smax.u32 s0, $0x1  }
.LBB2_1:
0x13: {  	s19 =	rddreg [dreg:$0x3]  }
0x14: {  	[tilespmem:s2], [sflag:$0x2] =	stream.linear.gather [hbm4b:s19+s2], $0x40, $0x38;
	[tilespmem:$0x10100] =	vst v63  }
0x15: {  	_ =	swait.ge [sflag:s8], $0x40  }
0x16: {  	s0 =	rddreg [dreg:$0x4];
	[sflag:s8] =	ssyncset.done $0x0  }
0x17: {  	s20 =	rddreg [dreg:$0x6];
	[sflag:s8] =	ssyncadd.s32 $0xFFFFFFC0  }
0x18: {  	[tilespmem:s20], [sflag:$0x2] =	stream.linear.gather [hbm4b:s0+s2], $0x40, $0x38;
	[tilespmem:$0x10100] =	vst v63  }
0x19: {  	_ =	swait.ge [sflag:s8], $0x40  }
0x1a: {  	[sflag:s8] =	ssyncset.done $0x0  }
0x1b: {  	s1 =	rddreg [dreg:$0x5];
	[sflag:s8] =	ssyncadd.s32 $0xFFFFFFC0  }
0x1c: {  	[tilespmem:s18], [sflag:$0x2] =	stream.linear.gather [hbm4b:s1+s2], $0x10000, $0x38;
	[tilespmem:$0x10100] =	vst v63  }
0x1d: {  	_ =	swait.ge [sflag:s8], $0x10000  }
0x1e: {  	[sflag:s8] =	ssyncset.done $0x0  }
0x1f: {  	[sflag:s8] =	ssyncadd.s32 $0xFFFF0000  }
0x20: {  	v3 =	vld [tilespmem:$0x0];
	_ =	sdelay $0x4  }
0x21: {  	v4 =	vshll.u32 v3, $0x3  }
0x22: {  	v3 =	vand.u32 $0x7, v3;
	v4 =	vand.u32 $0xFFFFFFC0, v4  }
0x23: {  	v3 =	vor.u32 v3, v4  }
0x24: {  	v4 =	vperm.xlane v3, v0;
	_ =	sdelay $0x1  }
0x25: {  	v4 =	vadd.s32 v1, v4;
	_ =	sdelay $0x4  }
0x26: {  	[hbm4b:s3+s2] =	stream.indirect_vreg.scatter [tilespmem:s18], [sflag:$0x1], $0x80, v4, vm0, $0xb8;
	[tilespmem:$0x10100] =	vst v63  }
0x27: {  	s19 =	simm.s32 $0x900;
	v3 =	vperm.xlane v3, v2  }
0x28: {  	[hbm4b:s4+s2] =	stream.indirect_vreg.scatter [tilespmem:s19], [sflag:$0x1], $0x80, v4, vm0, $0xb8;
	[tilespmem:$0x10100] =	vst v63  }
0x29: {  	s20 =	simm.s32 $0x1100;
	v3 =	vadd.s32 v1, v3  }
0x2a: {  	[hbm4b:s5+s2] =	stream.indirect_vreg.scatter [tilespmem:s20], [sflag:$0x1], $0x80, v4, vm0, $0xb8;
	[tilespmem:$0x10100] =	vst v63  }
0x2b: {  	_ = 	snop  }
0x2c: {  	[hbm4b:s6+s2] =	stream.indirect_vreg.scatter [tilespmem:s21], [sflag:$0x1], $0x80, v4, vm0, $0xb8;
	[tilespmem:$0x10100] =	vst v63  }
0x2d: {  	_ = 	snop  }
0x2e: {  	[hbm4b:s3+s2] =	stream.indirect_vreg.scatter [tilespmem:s22], [sflag:$0x1], $0x80, v3, vm0, $0xb8;
	[tilespmem:$0x10100] =	vst v63  }
0x2f: {  	_ = 	snop  }
0x30: {  	[hbm4b:s4+s2] =	stream.indirect_vreg.scatter [tilespmem:s23], [sflag:$0x1], $0x80, v3, vm0, $0xb8;
	[tilespmem:$0x10100] =	vst v63  }
0x31: {  	_ = 	snop  }
0x32: {  	[hbm4b:s5+s2] =	stream.indirect_vreg.scatter [tilespmem:s24], [sflag:$0x1], $0x80, v3, vm0, $0xb8;
	[tilespmem:$0x10100] =	vst v63  }
0x33: {  	_ = 	snop  }
0x34: {  	[hbm4b:s6+s2] =	stream.indirect_vreg.scatter [tilespmem:s25], [sflag:$0x1], $0x80, v3, vm0, $0xb8;
	[tilespmem:$0x10100] =	vst v63  }
0x35: {  	v3 =	vld [tilespmem:$0x10];
	_ =	sdelay $0x4  }
0x36: {  	v57 =	vshll.u32 v3, $0x3  }
0x37: {  	v3 =	vand.u32 $0x7, v3;
	v4 =	vand.u32 $0xFFFFFFC0, v57  }
0x38: {  	v3 =	vor.u32 v3, v4  }
0x39: {  	v4 =	vperm.xlane v3, v0;
	_ =	sdelay $0x1  }
0x3a: {  	v4 =	vadd.s32 v1, v4;
	_ =	sdelay $0x4  }
0x3b: {  	[hbm4b:s3+s2] =	stream.indirect_vreg.scatter [tilespmem:s26], [sflag:$0x1], $0x80, v4, vm0, $0xb8;
	[tilespmem:$0x10100] =	vst v63  }
0x3c: {  	v3 =	vperm.xlane v3, v2  }
0x3d: {  	[hbm4b:s4+s2] =	stream.indirect_vreg.scatter [tilespmem:s28], [sflag:$0x1], $0x80, v4, vm0, $0xb8;
	[tilespmem:$0x10100] =	vst v63  }
0x3e: {  	v3 =	vadd.s32 v1, v3  }
0x3f: {  	[hbm4b:s5+s2] =	stream.indirect_vreg.scatter [tilespmem:s29], [sflag:$0x1], $0x80, v4, vm0, $0xb8;
	[tilespmem:$0x10100] =	vst v63  }
0x40: {  	_ = 	snop  }
0x41: {  	[hbm4b:s6+s2] =	stream.indirect_vreg.scatter [tilespmem:s30], [sflag:$0x1], $0x80, v4, vm0, $0xb8;
	[tilespmem:$0x10100] =	vst v63  }
0x42: {  	_ = 	snop  }
0x43: {  	[hbm4b:s3+s2] =	stream.indirect_vreg.scatter [tilespmem:s31], [sflag:$0x1], $0x80, v3, vm0, $0xb8;
	[tilespmem:$0x10100] =	vst v63  }
0x44: {  	s1 =	simm.s32 $0x6900  }
0x45: {  	[hbm4b:s4+s2] =	stream.indirect_vreg.scatter [tilespmem:s1], [sflag:$0x1], $0x80, v3, vm0, $0xb8;
	[tilespmem:$0x10100] =	vst v63  }
0x46: {  	s0 =	simm.s32 $0x7100  }
0x47: {  	[hbm4b:s5+s2] =	stream.indirect_vreg.scatter [tilespmem:s0], [sflag:$0x1], $0x80, v3, vm0, $0xb8;
	[tilespmem:$0x10100] =	vst v63  }
0x48: {  	_ = 	snop  }
0x49: {  	[hbm4b:s6+s2] =	stream.indirect_vreg.scatter [tilespmem:s10], [sflag:$0x1], $0x80, v3, vm0, $0xb8;
	[tilespmem:$0x10100] =	vst v63  }
0x4a: {  	v3 =	vld [tilespmem:$0x20];
	_ =	sdelay $0x4  }
0x4b: {  	v58 =	vshll.u32 v3, $0x3  }
0x4c: {  	v3 =	vand.u32 $0x7, v3;
	v4 =	vand.u32 $0xFFFFFFC0, v58  }
0x4d: {  	v3 =	vor.u32 v3, v4  }
0x4e: {  	v4 =	vperm.xlane v3, v0;
	_ =	sdelay $0x1  }
0x4f: {  	v4 =	vadd.s32 v1, v4;
	_ =	sdelay $0x4  }
0x50: {  	[hbm4b:s3+s2] =	stream.indirect_vreg.scatter [tilespmem:s11], [sflag:$0x1], $0x80, v4, vm0, $0xb8;
	[tilespmem:$0x10100] =	vst v63  }
0x51: {  	v3 =	vperm.xlane v3, v2  }
0x52: {  	[hbm4b:s4+s2] =	stream.indirect_vreg.scatter [tilespmem:s12], [sflag:$0x1], $0x80, v4, vm0, $0xb8;
	[tilespmem:$0x10100] =	vst v63  }
0x53: {  	v3 =	vadd.s32 v1, v3  }
0x54: {  	[hbm4b:s5+s2] =	stream.indirect_vreg.scatter [tilespmem:s13], [sflag:$0x1], $0x80, v4, vm0, $0xb8;
	[tilespmem:$0x10100] =	vst v63  }
0x55: {  	_ = 	snop  }
0x56: {  	[hbm4b:s6+s2] =	stream.indirect_vreg.scatter [tilespmem:s14], [sflag:$0x1], $0x80, v4, vm0, $0xb8;
	[tilespmem:$0x10100] =	vst v63  }
0x57: {  	_ = 	snop  }
0x58: {  	[hbm4b:s3+s2] =	stream.indirect_vreg.scatter [tilespmem:s15], [sflag:$0x1], $0x80, v3, vm0, $0xb8;
	[tilespmem:$0x10100] =	vst v63  }
0x59: {  	_ = 	snop  }
0x5a: {  	[hbm4b:s4+s2] =	stream.indirect_vreg.scatter [tilespmem:s16], [sflag:$0x1], $0x80, v3, vm0, $0xb8;
	[tilespmem:$0x10100] =	vst v63  }
0x5b: {  	_ = 	snop  }
0x5c: {  	[hbm4b:s5+s2] =	stream.indirect_vreg.scatter [tilespmem:s17], [sflag:$0x1], $0x80, v3, vm0, $0xb8;
	[tilespmem:$0x10100] =	vst v63  }
0x5d: {  	_ = 	snop  }
0x5e: {  	[hbm4b:s6+s2] =	stream.indirect_vreg.scatter [tilespmem:s9], [sflag:$0x1], $0x80, v3, vm0, $0xb8;
	[tilespmem:$0x10100] =	vst v63  }
0x5f: {  	v3 =	vld [tilespmem:$0x30];
	_ =	sdelay $0x4  }
0x60: {  	v59 =	vshll.u32 v3, $0x3  }
0x61: {  	v3 =	vand.u32 $0x7, v3;
	v4 =	vand.u32 $0xFFFFFFC0, v59  }
0x62: {  	v3 =	vor.u32 v3, v4  }
0x63: {  	v4 =	vperm.xlane v3, v0;
	_ =	sdelay $0x1  }
0x64: {  	v4 =	vadd.s32 v1, v4;
	_ =	sdelay $0x3  }
0x65: {  	s0 =	simm.s32 $0xC100  }
0x66: {  	[hbm4b:s3+s2] =	stream.indirect_vreg.scatter [tilespmem:s0], [sflag:$0x1], $0x80, v4, vm0, $0xb8;
	[tilespmem:$0x10100] =	vst v63  }
0x67: {  	v3 =	vperm.xlane v3, v2;
	s0 =	simm.s32 $0xC900  }
0x68: {  	[hbm4b:s4+s2] =	stream.indirect_vreg.scatter [tilespmem:s0], [sflag:$0x1], $0x80, v4, vm0, $0xb8;
	[tilespmem:$0x10100] =	vst v63  }
0x69: {  	v3 =	vadd.s32 v1, v3;
	s0 =	simm.s32 $0xD100  }
0x6a: {  	[hbm4b:s5+s2] =	stream.indirect_vreg.scatter [tilespmem:s0], [sflag:$0x1], $0x80, v4, vm0, $0xb8;
	[tilespmem:$0x10100] =	vst v63  }
0x6b: {  	s0 =	simm.s32 $0xD900  }
0x6c: {  	[hbm4b:s6+s2] =	stream.indirect_vreg.scatter [tilespmem:s0], [sflag:$0x1], $0x80, v4, vm0, $0xb8;
	[tilespmem:$0x10100] =	vst v63  }
0x6d: {  	s0 =	simm.s32 $0xE100  }
0x6e: {  	[hbm4b:s3+s2] =	stream.indirect_vreg.scatter [tilespmem:s0], [sflag:$0x1], $0x80, v3, vm0, $0xb8;
	[tilespmem:$0x10100] =	vst v63  }
0x6f: {  	s0 =	simm.s32 $0xE900  }
0x70: {  	[hbm4b:s4+s2] =	stream.indirect_vreg.scatter [tilespmem:s0], [sflag:$0x1], $0x80, v3, vm0, $0xb8;
	[tilespmem:$0x10100] =	vst v63  }
0x71: {  	s0 =	simm.s32 $0xF100  }
0x72: {  	[hbm4b:s5+s2] =	stream.indirect_vreg.scatter [tilespmem:s0], [sflag:$0x1], $0x80, v3, vm0, $0xb8;
	[tilespmem:$0x10100] =	vst v63  }
0x73: {  	s0 =	simm.s32 $0xF900  }
0x74: {  	[hbm4b:s6+s2] =	stream.indirect_vreg.scatter [tilespmem:s0], [sflag:$0x1], $0x80, v3, vm0, $0xb8;
	[tilespmem:$0x10100] =	vst v63  }
0x75: {  	v3 =	vld [tilespmem:$0x80];
	_ =	sdelay $0x4  }
0x76: {  	v60 =	vshll.u32 v3, $0x3  }
0x77: {  	v3 =	vand.u32 $0x7, v3;
	v4 =	vand.u32 $0xFFFFFFC0, v60  }
0x78: {  	v3 =	vor.u32 v3, v4  }
0x79: {  	v4 =	vperm.xlane v3, v0;
	_ =	sdelay $0x1  }
0x7a: {  	v4 =	vadd.s32 v1, v4;
	_ =	sdelay $0x4  }
0x7b: {  	[hbm4b:s3+s2] =	stream.indirect_vreg.scatter [tilespmem:s18], [sflag:$0x1], $0x80, v4, vm0, $0xb8;
	[tilespmem:$0x10100] =	vst v63  }
0x7c: {  	v3 =	vperm.xlane v3, v2  }
0x7d: {  	[hbm4b:s4+s2] =	stream.indirect_vreg.scatter [tilespmem:s19], [sflag:$0x1], $0x80, v4, vm0, $0xb8;
	[tilespmem:$0x10100] =	vst v63  }
0x7e: {  	v3 =	vadd.s32 v1, v3  }
0x7f: {  	[hbm4b:s5+s2] =	stream.indirect_vreg.scatter [tilespmem:s20], [sflag:$0x1], $0x80, v4, vm0, $0xb8;
	[tilespmem:$0x10100] =	vst v63  }
0x80: {  	_ = 	snop  }
0x81: {  	[hbm4b:s6+s2] =	stream.indirect_vreg.scatter [tilespmem:s21], [sflag:$0x1], $0x80, v4, vm0, $0xb8;
	[tilespmem:$0x10100] =	vst v63  }
0x82: {  	_ = 	snop  }
0x83: {  	[hbm4b:s3+s2] =	stream.indirect_vreg.scatter [tilespmem:s22], [sflag:$0x1], $0x80, v3, vm0, $0xb8;
	[tilespmem:$0x10100] =	vst v63  }
0x84: {  	_ = 	snop  }
0x85: {  	[hbm4b:s4+s2] =	stream.indirect_vreg.scatter [tilespmem:s23], [sflag:$0x1], $0x80, v3, vm0, $0xb8;
	[tilespmem:$0x10100] =	vst v63  }
0x86: {  	_ = 	snop  }
0x87: {  	[hbm4b:s5+s2] =	stream.indirect_vreg.scatter [tilespmem:s24], [sflag:$0x1], $0x80, v3, vm0, $0xb8;
	[tilespmem:$0x10100] =	vst v63  }
0x88: {  	_ = 	snop  }
0x89: {  	[hbm4b:s6+s2] =	stream.indirect_vreg.scatter [tilespmem:s25], [sflag:$0x1], $0x80, v3, vm0, $0xb8;
	[tilespmem:$0x10100] =	vst v63  }
0x8a: {  	v3 =	vld [tilespmem:$0x90];
	_ =	sdelay $0x4  }
0x8b: {  	v61 =	vshll.u32 v3, $0x3  }
0x8c: {  	v3 =	vand.u32 $0x7, v3;
	v4 =	vand.u32 $0xFFFFFFC0, v61  }
0x8d: {  	v3 =	vor.u32 v3, v4  }
0x8e: {  	v4 =	vperm.xlane v3, v0;
	_ =	sdelay $0x1  }
0x8f: {  	v4 =	vadd.s32 v1, v4;
	_ =	sdelay $0x4  }
0x90: {  	[hbm4b:s3+s2] =	stream.indirect_vreg.scatter [tilespmem:s26], [sflag:$0x1], $0x80, v4, vm0, $0xb8;
	[tilespmem:$0x10100] =	vst v63  }
0x91: {  	v3 =	vperm.xlane v3, v2  }
0x92: {  	[hbm4b:s4+s2] =	stream.indirect_vreg.scatter [tilespmem:s28], [sflag:$0x1], $0x80, v4, vm0, $0xb8;
	[tilespmem:$0x10100] =	vst v63  }
0x93: {  	v3 =	vadd.s32 v1, v3  }
0x94: {  	[hbm4b:s5+s2] =	stream.indirect_vreg.scatter [tilespmem:s29], [sflag:$0x1], $0x80, v4, vm0, $0xb8;
	[tilespmem:$0x10100] =	vst v63  }
0x95: {  	_ = 	snop  }
0x96: {  	[hbm4b:s6+s2] =	stream.indirect_vreg.scatter [tilespmem:s30], [sflag:$0x1], $0x80, v4, vm0, $0xb8;
	[tilespmem:$0x10100] =	vst v63  }
0x97: {  	_ = 	snop  }
0x98: {  	[hbm4b:s3+s2] =	stream.indirect_vreg.scatter [tilespmem:s31], [sflag:$0x1], $0x80, v3, vm0, $0xb8;
	[tilespmem:$0x10100] =	vst v63  }
0x99: {  	_ = 	snop  }
0x9a: {  	[hbm4b:s4+s2] =	stream.indirect_vreg.scatter [tilespmem:s1], [sflag:$0x1], $0x80, v3, vm0, $0xb8;
	[tilespmem:$0x10100] =	vst v63  }
0x9b: {  	s20 =	simm.s32 $0x7100  }
0x9c: {  	[hbm4b:s5+s2] =	stream.indirect_vreg.scatter [tilespmem:s20], [sflag:$0x1], $0x80, v3, vm0, $0xb8;
	[tilespmem:$0x10100] =	vst v63  }
0x9d: {  	_ = 	snop  }
0x9e: {  	[hbm4b:s6+s2] =	stream.indirect_vreg.scatter [tilespmem:s10], [sflag:$0x1], $0x80, v3, vm0, $0xb8;
	[tilespmem:$0x10100] =	vst v63  }
0x9f: {  	v3 =	vld [tilespmem:$0xA0];
	_ =	sdelay $0x4  }
0xa0: {  	v62 =	vshll.u32 v3, $0x3  }
0xa1: {  	v3 =	vand.u32 $0x7, v3;
	v4 =	vand.u32 $0xFFFFFFC0, v62  }
0xa2: {  	v3 =	vor.u32 v3, v4  }
0xa3: {  	v4 =	vperm.xlane v3, v0;
	_ =	sdelay $0x1  }
0xa4: {  	v4 =	vadd.s32 v1, v4;
	_ =	sdelay $0x4  }
0xa5: {  	[hbm4b:s3+s2] =	stream.indirect_vreg.scatter [tilespmem:s11], [sflag:$0x1], $0x80, v4, vm0, $0xb8;
	[tilespmem:$0x10100] =	vst v63  }
0xa6: {  	v3 =	vperm.xlane v3, v2  }
0xa7: {  	[hbm4b:s4+s2] =	stream.indirect_vreg.scatter [tilespmem:s12], [sflag:$0x1], $0x80, v4, vm0, $0xb8;
	[tilespmem:$0x10100] =	vst v63  }
0xa8: {  	v3 =	vadd.s32 v1, v3  }
0xa9: {  	[hbm4b:s5+s2] =	stream.indirect_vreg.scatter [tilespmem:s13], [sflag:$0x1], $0x80, v4, vm0, $0xb8;
	[tilespmem:$0x10100] =	vst v63  }
0xaa: {  	_ = 	snop  }
0xab: {  	[hbm4b:s6+s2] =	stream.indirect_vreg.scatter [tilespmem:s14], [sflag:$0x1], $0x80, v4, vm0, $0xb8;
	[tilespmem:$0x10100] =	vst v63  }
0xac: {  	_ = 	snop  }
0xad: {  	[hbm4b:s3+s2] =	stream.indirect_vreg.scatter [tilespmem:s15], [sflag:$0x1], $0x80, v3, vm0, $0xb8;
	[tilespmem:$0x10100] =	vst v63  }
0xae: {  	_ = 	snop  }
0xaf: {  	[hbm4b:s4+s2] =	stream.indirect_vreg.scatter [tilespmem:s16], [sflag:$0x1], $0x80, v3, vm0, $0xb8;
	[tilespmem:$0x10100] =	vst v63  }
0xb0: {  	_ = 	snop  }
0xb1: {  	[hbm4b:s5+s2] =	stream.indirect_vreg.scatter [tilespmem:s17], [sflag:$0x1], $0x80, v3, vm0, $0xb8;
	[tilespmem:$0x10100] =	vst v63  }
0xb2: {  	_ = 	snop  }
0xb3: {  	[hbm4b:s6+s2] =	stream.indirect_vreg.scatter [tilespmem:s9], [sflag:$0x1], $0x80, v3, vm0, $0xb8;
	[tilespmem:$0x10100] =	vst v63  }
0xb4: {  	v3 =	vld [tilespmem:$0xB0];
	_ =	sdelay $0x4  }
0xb5: {  	v63 =	vshll.u32 v3, $0x3  }
0xb6: {  	v3 =	vand.u32 $0x7, v3;
	v4 =	vand.u32 $0xFFFFFFC0, v63  }
0xb7: {  	v3 =	vor.u32 v3, v4  }
0xb8: {  	v4 =	vperm.xlane v3, v0;
	_ =	sdelay $0x1  }
0xb9: {  	v4 =	vadd.s32 v1, v4;
	_ =	sdelay $0x3  }
0xba: {  	s19 =	simm.s32 $0xC100  }
0xbb: {  	[hbm4b:s3+s2] =	stream.indirect_vreg.scatter [tilespmem:s19], [sflag:$0x1], $0x80, v4, vm0, $0xb8;
	[tilespmem:$0x10100] =	vst v63  }
0xbc: {  	s20 =	simm.s32 $0xC900;
	v3 =	vperm.xlane v3, v2  }
0xbd: {  	[hbm4b:s4+s2] =	stream.indirect_vreg.scatter [tilespmem:s20], [sflag:$0x1], $0x80, v4, vm0, $0xb8;
	[tilespmem:$0x10100] =	vst v63  }
0xbe: {  	v3 =	vadd.s32 v1, v3;
	s19 =	simm.s32 $0xD100  }
0xbf: {  	[hbm4b:s5+s2] =	stream.indirect_vreg.scatter [tilespmem:s19], [sflag:$0x1], $0x80, v4, vm0, $0xb8;
	[tilespmem:$0x10100] =	vst v63  }
0xc0: {  	s20 =	simm.s32 $0xD900  }
0xc1: {  	[hbm4b:s6+s2] =	stream.indirect_vreg.scatter [tilespmem:s20], [sflag:$0x1], $0x80, v4, vm0, $0xb8;
	[tilespmem:$0x10100] =	vst v63  }
0xc2: {  	s19 =	simm.s32 $0xE100  }
0xc3: {  	[hbm4b:s3+s2] =	stream.indirect_vreg.scatter [tilespmem:s19], [sflag:$0x1], $0x80, v3, vm0, $0xb8;
	[tilespmem:$0x10100] =	vst v63  }
0xc4: {  	s20 =	simm.s32 $0xE900  }
0xc5: {  	[hbm4b:s4+s2] =	stream.indirect_vreg.scatter [tilespmem:s20], [sflag:$0x1], $0x80, v3, vm0, $0xb8;
	[tilespmem:$0x10100] =	vst v63  }
0xc6: {  	s19 =	simm.s32 $0xF100  }
0xc7: {  	[hbm4b:s5+s2] =	stream.indirect_vreg.scatter [tilespmem:s19], [sflag:$0x1], $0x80, v3, vm0, $0xb8;
	[tilespmem:$0x10100] =	vst v63  }
0xc8: {  	s20 =	simm.s32 $0x1  }
0xc9: {  	[hbm4b:s6+s2] =	stream.indirect_vreg.scatter [tilespmem:s0], [sflag:$0x1], $0x80, v3, vm0, $0xb8;
	[tilespmem:$0x10100] =	vst v63  }
0xca: {  	p0 =	sne.s32 s7, $0x1;
	_ =	swait.ge [sflag:s20], $0x10000  }
.Ltmp0:
0xcb: {  	[sflag:s20] =	ssyncset.done $0x0;
	(pc) =	sbr.rel @p0 .LBB2_1-.Ltmp0, $4  }
0xcc: {  	[sflag:s20] =	ssyncadd.s32 $0xFFFF0000  }
0xcd: {  	_ =	swait.ge [sflag:s20], $0x10000  }
0xce: {  	[sflag:s20] =	ssyncset.done $0x0  }
0xcf: {  	s7 =	sadd.s32 $0xFFFFFFFF, s7;
	[sflag:s20] =	ssyncadd.s32 $0xFFFF0000  }
0xd0: {  	_ =	sfence.sel $0x180000  }
0xd1: {  	[bflag:$0x0] =	sbarrier.arrive $0xFFFF  }
0xd2: {  	_ =	strace $0x90000047  }
0xd3: {  	s0 =	stileid.u32;
	[bflag:$0x2] =	sbarrier.arrive $0xFFFF  }
0xd4: {  	p0 =	sne.s32 s0, $0x0;
	s0 =	rddreg [dreg:$0x2]  }
0xd5: {  	s0 =	sadd.s32 @!p0 $0x100000, s0  }
0xd6: {  	[sflag:s0] =	ssyncadd.tile.s32 @!p0 $0x1;
	_ =	shalt  }
.Lfunc_end2:
_tile_overlayer_lowered:
.L_overlay_start_2:
0xd7: {  	(tag) =	ssettag $0x2  }
0xd8: {  	s0 =	rddreg [dreg:$0x0];
	s2 =	stileid.u32  }
0xd9: {  	s1 =	rddreg [dreg:$0x1];
	p0 =	sne.s32 s2, $0x0  }
0xda: {  	s3 =	rddreg [dreg:$0x2];
	[bflag:$0x3] =	sbarrier.arrive $0xFFFF;
	s2 =	simm.s32 @!p0 $0x1C02  }
0xdb: {  	[timem:s3], [sflag:s2] =	dma.local @!p0 [hbm:s0], s1  }
0xdc: {  	s0 =	simm.s32 @!p0 $0x2  }
0xdd: {  	_ =	swait.ge @!p0 [sflag:s0], s1  }
0xde: {  	s1 =	ssub.s32 @!p0 $0x0, s1;
	[sflag:s0] =	ssyncset.done @!p0 $0x0  }
0xdf: {  	[sflag:s0] =	ssyncadd.s32 @!p0 s1  }
0xe0: {  	[bflag:$0x3] =	sbarrier.arrive $0xFFFF  }
0xe1: {  	_ =	shalt  }

</sc_bundles>
